<compile_context>
chip_gen: v7x
topology: tpu7x:2x2x1
jax: 0.10.2.dev20260603
libtpu: 0.0.44.dev20260713+nightly
codegen_flags: <defaults>
</compile_context>

<pallas_src>
import functools

import jax
import jax.numpy as jnp
from jax import lax
from jax.experimental import pallas as pl
from jax.experimental.pallas import tpu as pltpu
from jax.experimental.pallas import tpu_sc as plsc

NBUF = 12
AHEAD = 10


@functools.lru_cache(maxsize=None)
def _make_gather(vocab: int, words: int, dim: int, batch: int):
    info = plsc.get_sparse_core_info()
    nc, ns = info.num_cores, info.num_subcores
    nw = nc * ns
    b_per_w = batch // nw
    assert batch == nw * b_per_w

    mesh = plsc.VectorSubcoreMesh(core_axis_name="c", subcore_axis_name="s")

    @functools.partial(
        pl.kernel,
        mesh=mesh,
        out_type=jax.ShapeDtypeStruct((batch, words, dim), jnp.float32),
        scratch_types=[
            pltpu.VMEM((b_per_w, words), jnp.int32),
            pltpu.VMEM((NBUF, words, dim), jnp.float32),
            pltpu.SemaphoreType.DMA,
            pltpu.SemaphoreType.DMA,
            pltpu.SemaphoreType.DMA,
        ],
        compiler_params=pltpu.CompilerParams(use_tc_tiling_on_sc=False),
    )
    def gather_kernel(x_hbm, table_hbm, out_hbm, idx_v, bufs, isem, gsem, ssem):
        wid = lax.axis_index("s") * nc + lax.axis_index("c")
        i0 = wid * b_per_w

        pltpu.async_copy(x_hbm.at[pl.ds(i0, b_per_w)], idx_v, isem).wait()

        def fire_gather(j):
            m = lax.rem(j, NBUF)
            pltpu.async_copy(table_hbm.at[idx_v.at[j]], bufs.at[m], gsem)

        def drain_gather(j):
            m = lax.rem(j, NBUF)
            pltpu.make_async_copy(
                table_hbm.at[pl.ds(0, words)], bufs.at[m], gsem
            ).wait()

        def fire_store(j):
            m = lax.rem(j, NBUF)
            pltpu.make_async_copy(bufs.at[m], out_hbm.at[i0 + j], ssem).start()

        def drain_store(j):
            m = lax.rem(j, NBUF)
            pltpu.make_async_copy(bufs.at[m], out_hbm.at[i0], ssem).wait()

        for j in range(AHEAD):
            fire_gather(j)

        def step(j, carry):
            drain_gather(j)

            @pl.when(j + AHEAD < b_per_w)
            def _():
                @pl.when(j + AHEAD >= NBUF)
                def _():
                    drain_store(j + AHEAD - NBUF)

                fire_gather(j + AHEAD)

            fire_store(j)
            return carry

        lax.fori_loop(0, b_per_w, step, 0)
        for j in range(b_per_w - NBUF, b_per_w):
            drain_store(j)

    return gather_kernel, nw


def kernel(x, table):
    vocab, dim = table.shape
    batch, words = x.shape
    gather_kernel, nw = _make_gather(vocab, words, dim, batch)
    return gather_kernel(x.astype(jnp.int32), table)

# --- scband reference (transcript-rebuilt; emitter-appended) ---
"""Pipeline reference for scband-embedding-55963423866934 (READ-ONLY COPY).

The authoritative reference and input builder live on the scoring server;
editing this copy changes nothing except your own understanding.
"""

import jax, jax.numpy as jnp
import numpy as np

VOCAB = 1000000
EMBED_DIM = 64


def setup_inputs(seed: int = 0) -> dict:
    key = jax.random.key(seed)
    k1, k2 = jax.random.split(key)
    x = jax.random.randint(k1, (16384, 50), 0, VOCAB, dtype=jnp.int64 if jax.config.jax_enable_x64 else jnp.int32)
    table = jax.random.normal(k2, (VOCAB, EMBED_DIM), dtype=jnp.float32)
    return {"x": x, "table": table}


def reference(x, table):
    # Faithful translation of nn.Embedding: row gather from the table.
    embedded = jnp.take(table, x, axis=0)
    return embedded

if __name__ == "__main__":
    import jax
    _d = setup_inputs()
    print(jax.jit(kernel)(*tuple(_d.values())))

</pallas_src>

<mosaic_0001>
#map = affine_map<(d0, d1) -> (0, 0)>
#map1 = affine_map<(d0, d1) -> (0, 0, 0)>
module attributes {stable_mosaic.version = 14 : i64} {
  func.func @gather_kernel(%arg0: i32, %arg1: i32, %arg2: memref<16384x50xi32, #tpu.memory_space<hbm>>, %arg3: memref<1000000x64xf32, #tpu.memory_space<hbm>>, %arg4: memref<16384x50x64xf32, #tpu.memory_space<hbm>>, %arg5: memref<512x50xi32, #tpu.memory_space<vmem>>, %arg6: memref<12x50x64xf32, #tpu.memory_space<vmem>>, %arg7: memref<!tpu.dma_semaphore, #tpu.memory_space<semaphore_mem>>, %arg8: memref<!tpu.dma_semaphore, #tpu.memory_space<semaphore_mem>>, %arg9: memref<!tpu.dma_semaphore, #tpu.memory_space<semaphore_mem>>) attributes {dimension_semantics = [#tpu.dimension_semantics<core_parallel>, #tpu.dimension_semantics<subcore_parallel>], iteration_bounds = array<i64: 2, 16>, scalar_prefetch = 0 : i64, scratch_operands = 5 : i64, tpu.core_type = #tpu.core_type<sc_vector_subcore>, window_params = [{transform_indices = #map}, {transform_indices = #map}, {transform_indices = #map1}]} {
    %mul3A = arith.constant 2 : i32
    %mul3A_0 = arith.muli %arg1, %mul3A : i32
    %add3A = arith.addi %mul3A_0, %arg0 : i32
    %mul3A_1 = arith.constant 512 : i32
    %mul3A_2 = arith.muli %add3A, %mul3A_1 : i32
    %dma_start3A = arith.constant 0 : i32
    %dma_start3A_3 = tpu.memref_slice %arg2[%mul3A_2, %dma_start3A] : memref<16384x50xi32, #tpu.memory_space<hbm>> -> memref<512x50xi32, #tpu.memory_space<hbm>>
    %dma_start3A_4 = arith.constant 0 : i32
    %dma_start3A_5 = tpu.memref_slice %arg2[%mul3A_2, %dma_start3A_4] : memref<16384x50xi32, #tpu.memory_space<hbm>> -> memref<512x50xi32, #tpu.memory_space<hbm>>
    tpu.enqueue_dma source(%dma_start3A_5 : memref<512x50xi32, #tpu.memory_space<hbm>>) target(%arg5 : memref<512x50xi32, #tpu.memory_space<vmem>>) target_semaphore(%arg7 : memref<!tpu.dma_semaphore, #tpu.memory_space<semaphore_mem>>)
    %dma_wait3A = arith.constant 0 : i32
    %dma_wait3A_6 = tpu.memref_slice %arg2[%mul3A_2, %dma_wait3A] : memref<16384x50xi32, #tpu.memory_space<hbm>> -> memref<512x50xi32, #tpu.memory_space<hbm>>
    %dma_wait3A_7 = arith.constant 0 : i32
    %dma_wait3A_8 = tpu.memref_slice %arg2[%mul3A_2, %dma_wait3A_7] : memref<16384x50xi32, #tpu.memory_space<hbm>> -> memref<512x50xi32, #tpu.memory_space<hbm>>
    tpu.wait_dma2 semaphore(%arg7 : memref<!tpu.dma_semaphore, #tpu.memory_space<semaphore_mem>>) src(%dma_wait3A_8 : memref<512x50xi32, #tpu.memory_space<hbm>>) dst(%arg5 : memref<512x50xi32, #tpu.memory_space<vmem>>)
    %rem3A = arith.constant 0 : i32
    %rem3A_9 = arith.constant 12 : i32
    %rem3A_10 = arith.remsi %rem3A, %rem3A_9 : i32
    %dma_start3A_11 = arith.constant 0 : i32
    %dma_start3A_12 = arith.constant 0 : i32
    %dma_start3A_13 = arith.constant 0 : i32
    %dma_start3A_14 = tpu.memref_slice %arg6[%rem3A_10, %dma_start3A_12, %dma_start3A_13] : memref<12x50x64xf32, #tpu.memory_space<vmem>> -> memref<1x50x64xf32, #tpu.memory_space<vmem>>
    %dma_start3A_15 = tpu.memref_squeeze %dma_start3A_14 : memref<1x50x64xf32, #tpu.memory_space<vmem>> -> memref<50x64xf32, #tpu.memory_space<vmem>>
    %dma_start3A_16 = arith.constant 0 : i32
    %dma_start3A_17 = tpu.memref_slice %arg5[%dma_start3A_11, %dma_start3A_16] : memref<512x50xi32, #tpu.memory_space<vmem>> -> memref<1x50xi32, #tpu.memory_space<vmem>>
    %dma_start3A_18 = tpu.memref_squeeze %dma_start3A_17 : memref<1x50xi32, #tpu.memory_space<vmem>> -> memref<50xi32, #tpu.memory_space<vmem>>
    %dma_start3A_19 = arith.constant 0 : i32
    %dma_start3A_20 = arith.constant 0 : i32
    %dma_start3A_21 = tpu.memref_slice %arg3[%dma_start3A_19, %dma_start3A_20] : memref<1000000x64xf32, #tpu.memory_space<hbm>> -> memref<1000000x64xf32, #tpu.memory_space<hbm>>
    tpu.enqueue_indirect_dma source(%dma_start3A_21 : memref<1000000x64xf32, #tpu.memory_space<hbm>>) target(%dma_start3A_15 : memref<50x64xf32, #tpu.memory_space<vmem>>) offsets(%dma_start3A_18 : memref<50xi32, #tpu.memory_space<vmem>>) semaphore(%arg8 : memref<!tpu.dma_semaphore, #tpu.memory_space<semaphore_mem>>)
    %rem3A_22 = arith.constant 1 : i32
    %rem3A_23 = arith.constant 12 : i32
    %rem3A_24 = arith.remsi %rem3A_22, %rem3A_23 : i32
    %dma_start3A_25 = arith.constant 1 : i32
    %dma_start3A_26 = arith.constant 0 : i32
    %dma_start3A_27 = arith.constant 0 : i32
    %dma_start3A_28 = tpu.memref_slice %arg6[%rem3A_24, %dma_start3A_26, %dma_start3A_27] : memref<12x50x64xf32, #tpu.memory_space<vmem>> -> memref<1x50x64xf32, #tpu.memory_space<vmem>>
    %dma_start3A_29 = tpu.memref_squeeze %dma_start3A_28 : memref<1x50x64xf32, #tpu.memory_space<vmem>> -> memref<50x64xf32, #tpu.memory_space<vmem>>
    %dma_start3A_30 = arith.constant 0 : i32
    %dma_start3A_31 = tpu.memref_slice %arg5[%dma_start3A_25, %dma_start3A_30] : memref<512x50xi32, #tpu.memory_space<vmem>> -> memref<1x50xi32, #tpu.memory_space<vmem>>
    %dma_start3A_32 = tpu.memref_squeeze %dma_start3A_31 : memref<1x50xi32, #tpu.memory_space<vmem>> -> memref<50xi32, #tpu.memory_space<vmem>>
    %dma_start3A_33 = arith.constant 0 : i32
    %dma_start3A_34 = arith.constant 0 : i32
    %dma_start3A_35 = tpu.memref_slice %arg3[%dma_start3A_33, %dma_start3A_34] : memref<1000000x64xf32, #tpu.memory_space<hbm>> -> memref<1000000x64xf32, #tpu.memory_space<hbm>>
    tpu.enqueue_indirect_dma source(%dma_start3A_35 : memref<1000000x64xf32, #tpu.memory_space<hbm>>) target(%dma_start3A_29 : memref<50x64xf32, #tpu.memory_space<vmem>>) offsets(%dma_start3A_32 : memref<50xi32, #tpu.memory_space<vmem>>) semaphore(%arg8 : memref<!tpu.dma_semaphore, #tpu.memory_space<semaphore_mem>>)
    %rem3A_36 = arith.constant 2 : i32
    %rem3A_37 = arith.constant 12 : i32
    %rem3A_38 = arith.remsi %rem3A_36, %rem3A_37 : i32
    %dma_start3A_39 = arith.constant 2 : i32
    %dma_start3A_40 = arith.constant 0 : i32
    %dma_start3A_41 = arith.constant 0 : i32
    %dma_start3A_42 = tpu.memref_slice %arg6[%rem3A_38, %dma_start3A_40, %dma_start3A_41] : memref<12x50x64xf32, #tpu.memory_space<vmem>> -> memref<1x50x64xf32, #tpu.memory_space<vmem>>
    %dma_start3A_43 = tpu.memref_squeeze %dma_start3A_42 : memref<1x50x64xf32, #tpu.memory_space<vmem>> -> memref<50x64xf32, #tpu.memory_space<vmem>>
    %dma_start3A_44 = arith.constant 0 : i32
    %dma_start3A_45 = tpu.memref_slice %arg5[%dma_start3A_39, %dma_start3A_44] : memref<512x50xi32, #tpu.memory_space<vmem>> -> memref<1x50xi32, #tpu.memory_space<vmem>>
    %dma_start3A_46 = tpu.memref_squeeze %dma_start3A_45 : memref<1x50xi32, #tpu.memory_space<vmem>> -> memref<50xi32, #tpu.memory_space<vmem>>
    %dma_start3A_47 = arith.constant 0 : i32
    %dma_start3A_48 = arith.constant 0 : i32
    %dma_start3A_49 = tpu.memref_slice %arg3[%dma_start3A_47, %dma_start3A_48] : memref<1000000x64xf32, #tpu.memory_space<hbm>> -> memref<1000000x64xf32, #tpu.memory_space<hbm>>
    tpu.enqueue_indirect_dma source(%dma_start3A_49 : memref<1000000x64xf32, #tpu.memory_space<hbm>>) target(%dma_start3A_43 : memref<50x64xf32, #tpu.memory_space<vmem>>) offsets(%dma_start3A_46 : memref<50xi32, #tpu.memory_space<vmem>>) semaphore(%arg8 : memref<!tpu.dma_semaphore, #tpu.memory_space<semaphore_mem>>)
    %rem3A_50 = arith.constant 3 : i32
    %rem3A_51 = arith.constant 12 : i32
    %rem3A_52 = arith.remsi %rem3A_50, %rem3A_51 : i32
    %dma_start3A_53 = arith.constant 3 : i32
    %dma_start3A_54 = arith.constant 0 : i32
    %dma_start3A_55 = arith.constant 0 : i32
    %dma_start3A_56 = tpu.memref_slice %arg6[%rem3A_52, %dma_start3A_54, %dma_start3A_55] : memref<12x50x64xf32, #tpu.memory_space<vmem>> -> memref<1x50x64xf32, #tpu.memory_space<vmem>>
    %dma_start3A_57 = tpu.memref_squeeze %dma_start3A_56 : memref<1x50x64xf32, #tpu.memory_space<vmem>> -> memref<50x64xf32, #tpu.memory_space<vmem>>
    %dma_start3A_58 = arith.constant 0 : i32
    %dma_start3A_59 = tpu.memref_slice %arg5[%dma_start3A_53, %dma_start3A_58] : memref<512x50xi32, #tpu.memory_space<vmem>> -> memref<1x50xi32, #tpu.memory_space<vmem>>
    %dma_start3A_60 = tpu.memref_squeeze %dma_start3A_59 : memref<1x50xi32, #tpu.memory_space<vmem>> -> memref<50xi32, #tpu.memory_space<vmem>>
    %dma_start3A_61 = arith.constant 0 : i32
    %dma_start3A_62 = arith.constant 0 : i32
    %dma_start3A_63 = tpu.memref_slice %arg3[%dma_start3A_61, %dma_start3A_62] : memref<1000000x64xf32, #tpu.memory_space<hbm>> -> memref<1000000x64xf32, #tpu.memory_space<hbm>>
    tpu.enqueue_indirect_dma source(%dma_start3A_63 : memref<1000000x64xf32, #tpu.memory_space<hbm>>) target(%dma_start3A_57 : memref<50x64xf32, #tpu.memory_space<vmem>>) offsets(%dma_start3A_60 : memref<50xi32, #tpu.memory_space<vmem>>) semaphore(%arg8 : memref<!tpu.dma_semaphore, #tpu.memory_space<semaphore_mem>>)
    %rem3A_64 = arith.constant 4 : i32
    %rem3A_65 = arith.constant 12 : i32
    %rem3A_66 = arith.remsi %rem3A_64, %rem3A_65 : i32
    %dma_start3A_67 = arith.constant 4 : i32
    %dma_start3A_68 = arith.constant 0 : i32
    %dma_start3A_69 = arith.constant 0 : i32
    %dma_start3A_70 = tpu.memref_slice %arg6[%rem3A_66, %dma_start3A_68, %dma_start3A_69] : memref<12x50x64xf32, #tpu.memory_space<vmem>> -> memref<1x50x64xf32, #tpu.memory_space<vmem>>
    %dma_start3A_71 = tpu.memref_squeeze %dma_start3A_70 : memref<1x50x64xf32, #tpu.memory_space<vmem>> -> memref<50x64xf32, #tpu.memory_space<vmem>>
    %dma_start3A_72 = arith.constant 0 : i32
    %dma_start3A_73 = tpu.memref_slice %arg5[%dma_start3A_67, %dma_start3A_72] : memref<512x50xi32, #tpu.memory_space<vmem>> -> memref<1x50xi32, #tpu.memory_space<vmem>>
    %dma_start3A_74 = tpu.memref_squeeze %dma_start3A_73 : memref<1x50xi32, #tpu.memory_space<vmem>> -> memref<50xi32, #tpu.memory_space<vmem>>
    %dma_start3A_75 = arith.constant 0 : i32
    %dma_start3A_76 = arith.constant 0 : i32
    %dma_start3A_77 = tpu.memref_slice %arg3[%dma_start3A_75, %dma_start3A_76] : memref<1000000x64xf32, #tpu.memory_space<hbm>> -> memref<1000000x64xf32, #tpu.memory_space<hbm>>
    tpu.enqueue_indirect_dma source(%dma_start3A_77 : memref<1000000x64xf32, #tpu.memory_space<hbm>>) target(%dma_start3A_71 : memref<50x64xf32, #tpu.memory_space<vmem>>) offsets(%dma_start3A_74 : memref<50xi32, #tpu.memory_space<vmem>>) semaphore(%arg8 : memref<!tpu.dma_semaphore, #tpu.memory_space<semaphore_mem>>)
    %rem3A_78 = arith.constant 5 : i32
    %rem3A_79 = arith.constant 12 : i32
    %rem3A_80 = arith.remsi %rem3A_78, %rem3A_79 : i32
    %dma_start3A_81 = arith.constant 5 : i32
    %dma_start3A_82 = arith.constant 0 : i32
    %dma_start3A_83 = arith.constant 0 : i32
    %dma_start3A_84 = tpu.memref_slice %arg6[%rem3A_80, %dma_start3A_82, %dma_start3A_83] : memref<12x50x64xf32, #tpu.memory_space<vmem>> -> memref<1x50x64xf32, #tpu.memory_space<vmem>>
    %dma_start3A_85 = tpu.memref_squeeze %dma_start3A_84 : memref<1x50x64xf32, #tpu.memory_space<vmem>> -> memref<50x64xf32, #tpu.memory_space<vmem>>
    %dma_start3A_86 = arith.constant 0 : i32
    %dma_start3A_87 = tpu.memref_slice %arg5[%dma_start3A_81, %dma_start3A_86] : memref<512x50xi32, #tpu.memory_space<vmem>> -> memref<1x50xi32, #tpu.memory_space<vmem>>
    %dma_start3A_88 = tpu.memref_squeeze %dma_start3A_87 : memref<1x50xi32, #tpu.memory_space<vmem>> -> memref<50xi32, #tpu.memory_space<vmem>>
    %dma_start3A_89 = arith.constant 0 : i32
    %dma_start3A_90 = arith.constant 0 : i32
    %dma_start3A_91 = tpu.memref_slice %arg3[%dma_start3A_89, %dma_start3A_90] : memref<1000000x64xf32, #tpu.memory_space<hbm>> -> memref<1000000x64xf32, #tpu.memory_space<hbm>>
    tpu.enqueue_indirect_dma source(%dma_start3A_91 : memref<1000000x64xf32, #tpu.memory_space<hbm>>) target(%dma_start3A_85 : memref<50x64xf32, #tpu.memory_space<vmem>>) offsets(%dma_start3A_88 : memref<50xi32, #tpu.memory_space<vmem>>) semaphore(%arg8 : memref<!tpu.dma_semaphore, #tpu.memory_space<semaphore_mem>>)
    %rem3A_92 = arith.constant 6 : i32
    %rem3A_93 = arith.constant 12 : i32
    %rem3A_94 = arith.remsi %rem3A_92, %rem3A_93 : i32
    %dma_start3A_95 = arith.constant 6 : i32
    %dma_start3A_96 = arith.constant 0 : i32
    %dma_start3A_97 = arith.constant 0 : i32
    %dma_start3A_98 = tpu.memref_slice %arg6[%rem3A_94, %dma_start3A_96, %dma_start3A_97] : memref<12x50x64xf32, #tpu.memory_space<vmem>> -> memref<1x50x64xf32, #tpu.memory_space<vmem>>
    %dma_start3A_99 = tpu.memref_squeeze %dma_start3A_98 : memref<1x50x64xf32, #tpu.memory_space<vmem>> -> memref<50x64xf32, #tpu.memory_space<vmem>>
    %dma_start3A_100 = arith.constant 0 : i32
    %dma_start3A_101 = tpu.memref_slice %arg5[%dma_start3A_95, %dma_start3A_100] : memref<512x50xi32, #tpu.memory_space<vmem>> -> memref<1x50xi32, #tpu.memory_space<vmem>>
    %dma_start3A_102 = tpu.memref_squeeze %dma_start3A_101 : memref<1x50xi32, #tpu.memory_space<vmem>> -> memref<50xi32, #tpu.memory_space<vmem>>
    %dma_start3A_103 = arith.constant 0 : i32
    %dma_start3A_104 = arith.constant 0 : i32
    %dma_start3A_105 = tpu.memref_slice %arg3[%dma_start3A_103, %dma_start3A_104] : memref<1000000x64xf32, #tpu.memory_space<hbm>> -> memref<1000000x64xf32, #tpu.memory_space<hbm>>
    tpu.enqueue_indirect_dma source(%dma_start3A_105 : memref<1000000x64xf32, #tpu.memory_space<hbm>>) target(%dma_start3A_99 : memref<50x64xf32, #tpu.memory_space<vmem>>) offsets(%dma_start3A_102 : memref<50xi32, #tpu.memory_space<vmem>>) semaphore(%arg8 : memref<!tpu.dma_semaphore, #tpu.memory_space<semaphore_mem>>)
    %rem3A_106 = arith.constant 7 : i32
    %rem3A_107 = arith.constant 12 : i32
    %rem3A_108 = arith.remsi %rem3A_106, %rem3A_107 : i32
    %dma_start3A_109 = arith.constant 7 : i32
    %dma_start3A_110 = arith.constant 0 : i32
    %dma_start3A_111 = arith.constant 0 : i32
    %dma_start3A_112 = tpu.memref_slice %arg6[%rem3A_108, %dma_start3A_110, %dma_start3A_111] : memref<12x50x64xf32, #tpu.memory_space<vmem>> -> memref<1x50x64xf32, #tpu.memory_space<vmem>>
    %dma_start3A_113 = tpu.memref_squeeze %dma_start3A_112 : memref<1x50x64xf32, #tpu.memory_space<vmem>> -> memref<50x64xf32, #tpu.memory_space<vmem>>
    %dma_start3A_114 = arith.constant 0 : i32
    %dma_start3A_115 = tpu.memref_slice %arg5[%dma_start3A_109, %dma_start3A_114] : memref<512x50xi32, #tpu.memory_space<vmem>> -> memref<1x50xi32, #tpu.memory_space<vmem>>
    %dma_start3A_116 = tpu.memref_squeeze %dma_start3A_115 : memref<1x50xi32, #tpu.memory_space<vmem>> -> memref<50xi32, #tpu.memory_space<vmem>>
    %dma_start3A_117 = arith.constant 0 : i32
    %dma_start3A_118 = arith.constant 0 : i32
    %dma_start3A_119 = tpu.memref_slice %arg3[%dma_start3A_117, %dma_start3A_118] : memref<1000000x64xf32, #tpu.memory_space<hbm>> -> memref<1000000x64xf32, #tpu.memory_space<hbm>>
    tpu.enqueue_indirect_dma source(%dma_start3A_119 : memref<1000000x64xf32, #tpu.memory_space<hbm>>) target(%dma_start3A_113 : memref<50x64xf32, #tpu.memory_space<vmem>>) offsets(%dma_start3A_116 : memref<50xi32, #tpu.memory_space<vmem>>) semaphore(%arg8 : memref<!tpu.dma_semaphore, #tpu.memory_space<semaphore_mem>>)
    %rem3A_120 = arith.constant 8 : i32
    %rem3A_121 = arith.constant 12 : i32
    %rem3A_122 = arith.remsi %rem3A_120, %rem3A_121 : i32
    %dma_start3A_123 = arith.constant 8 : i32
    %dma_start3A_124 = arith.constant 0 : i32
    %dma_start3A_125 = arith.constant 0 : i32
    %dma_start3A_126 = tpu.memref_slice %arg6[%rem3A_122, %dma_start3A_124, %dma_start3A_125] : memref<12x50x64xf32, #tpu.memory_space<vmem>> -> memref<1x50x64xf32, #tpu.memory_space<vmem>>
    %dma_start3A_127 = tpu.memref_squeeze %dma_start3A_126 : memref<1x50x64xf32, #tpu.memory_space<vmem>> -> memref<50x64xf32, #tpu.memory_space<vmem>>
    %dma_start3A_128 = arith.constant 0 : i32
    %dma_start3A_129 = tpu.memref_slice %arg5[%dma_start3A_123, %dma_start3A_128] : memref<512x50xi32, #tpu.memory_space<vmem>> -> memref<1x50xi32, #tpu.memory_space<vmem>>
    %dma_start3A_130 = tpu.memref_squeeze %dma_start3A_129 : memref<1x50xi32, #tpu.memory_space<vmem>> -> memref<50xi32, #tpu.memory_space<vmem>>
    %dma_start3A_131 = arith.constant 0 : i32
    %dma_start3A_132 = arith.constant 0 : i32
    %dma_start3A_133 = tpu.memref_slice %arg3[%dma_start3A_131, %dma_start3A_132] : memref<1000000x64xf32, #tpu.memory_space<hbm>> -> memref<1000000x64xf32, #tpu.memory_space<hbm>>
    tpu.enqueue_indirect_dma source(%dma_start3A_133 : memref<1000000x64xf32, #tpu.memory_space<hbm>>) target(%dma_start3A_127 : memref<50x64xf32, #tpu.memory_space<vmem>>) offsets(%dma_start3A_130 : memref<50xi32, #tpu.memory_space<vmem>>) semaphore(%arg8 : memref<!tpu.dma_semaphore, #tpu.memory_space<semaphore_mem>>)
    %rem3A_134 = arith.constant 9 : i32
    %rem3A_135 = arith.constant 12 : i32
    %rem3A_136 = arith.remsi %rem3A_134, %rem3A_135 : i32
    %dma_start3A_137 = arith.constant 9 : i32
    %dma_start3A_138 = arith.constant 0 : i32
    %dma_start3A_139 = arith.constant 0 : i32
    %dma_start3A_140 = tpu.memref_slice %arg6[%rem3A_136, %dma_start3A_138, %dma_start3A_139] : memref<12x50x64xf32, #tpu.memory_space<vmem>> -> memref<1x50x64xf32, #tpu.memory_space<vmem>>
    %dma_start3A_141 = tpu.memref_squeeze %dma_start3A_140 : memref<1x50x64xf32, #tpu.memory_space<vmem>> -> memref<50x64xf32, #tpu.memory_space<vmem>>
    %dma_start3A_142 = arith.constant 0 : i32
    %dma_start3A_143 = tpu.memref_slice %arg5[%dma_start3A_137, %dma_start3A_142] : memref<512x50xi32, #tpu.memory_space<vmem>> -> memref<1x50xi32, #tpu.memory_space<vmem>>
    %dma_start3A_144 = tpu.memref_squeeze %dma_start3A_143 : memref<1x50xi32, #tpu.memory_space<vmem>> -> memref<50xi32, #tpu.memory_space<vmem>>
    %dma_start3A_145 = arith.constant 0 : i32
    %dma_start3A_146 = arith.constant 0 : i32
    %dma_start3A_147 = tpu.memref_slice %arg3[%dma_start3A_145, %dma_start3A_146] : memref<1000000x64xf32, #tpu.memory_space<hbm>> -> memref<1000000x64xf32, #tpu.memory_space<hbm>>
    tpu.enqueue_indirect_dma source(%dma_start3A_147 : memref<1000000x64xf32, #tpu.memory_space<hbm>>) target(%dma_start3A_141 : memref<50x64xf32, #tpu.memory_space<vmem>>) offsets(%dma_start3A_144 : memref<50xi32, #tpu.memory_space<vmem>>) semaphore(%arg8 : memref<!tpu.dma_semaphore, #tpu.memory_space<semaphore_mem>>)
    %scan3A = arith.constant 0 : i32
    %scan3A_148 = arith.constant 0 : i32
    %scan3A_149 = arith.constant 512 : i32
    %scan3A_150 = arith.addi %scan3A_148, %scan3A_149 : i32
    %scan3A_151 = arith.constant 1 : i32
    scf.for %scan3A_381 = %scan3A_148 to %scan3A_150 step %scan3A_151  : i32 {
      %rem3A_382 = arith.constant 12 : i32
      %rem3A_383 = arith.remsi %scan3A_381, %rem3A_382 : i32
      %dma_wait3A_384 = arith.constant 0 : i32
      %dma_wait3A_385 = arith.constant 0 : i32
      %dma_wait3A_386 = tpu.memref_slice %arg6[%rem3A_383, %dma_wait3A_384, %dma_wait3A_385] : memref<12x50x64xf32, #tpu.memory_space<vmem>> -> memref<1x50x64xf32, #tpu.memory_space<vmem>>
      %dma_wait3A_387 = tpu.memref_squeeze %dma_wait3A_386 : memref<1x50x64xf32, #tpu.memory_space<vmem>> -> memref<50x64xf32, #tpu.memory_space<vmem>>
      %dma_wait3A_388 = arith.constant 0 : i32
      %dma_wait3A_389 = arith.constant 0 : i32
      %dma_wait3A_390 = tpu.memref_slice %arg3[%dma_wait3A_388, %dma_wait3A_389] : memref<1000000x64xf32, #tpu.memory_space<hbm>> -> memref<50x64xf32, #tpu.memory_space<hbm>>
      %dma_wait3A_391 = arith.constant 0 : i32
      %dma_wait3A_392 = arith.constant 0 : i32
      %dma_wait3A_393 = tpu.memref_slice %arg6[%rem3A_383, %dma_wait3A_391, %dma_wait3A_392] : memref<12x50x64xf32, #tpu.memory_space<vmem>> -> memref<1x50x64xf32, #tpu.memory_space<vmem>>
      %dma_wait3A_394 = tpu.memref_squeeze %dma_wait3A_393 : memref<1x50x64xf32, #tpu.memory_space<vmem>> -> memref<50x64xf32, #tpu.memory_space<vmem>>
      %dma_wait3A_395 = arith.constant 0 : i32
      %dma_wait3A_396 = arith.constant 0 : i32
      %dma_wait3A_397 = tpu.memref_slice %arg3[%dma_wait3A_395, %dma_wait3A_396] : memref<1000000x64xf32, #tpu.memory_space<hbm>> -> memref<50x64xf32, #tpu.memory_space<hbm>>
      tpu.wait_dma2 semaphore(%arg8 : memref<!tpu.dma_semaphore, #tpu.memory_space<semaphore_mem>>) src(%dma_wait3A_397 : memref<50x64xf32, #tpu.memory_space<hbm>>) dst(%dma_wait3A_394 : memref<50x64xf32, #tpu.memory_space<vmem>>)
      %add3A_398 = arith.constant 10 : i32
      %add3A_399 = arith.addi %scan3A_381, %add3A_398 : i32
      %lt3A = arith.constant 512 : i32
      %lt3A_400 = arith.cmpi slt, %add3A_399, %lt3A : i32
      %convert_element_type3A = arith.extui %lt3A_400 : i1 to i32
      %cond3A = arith.constant 0 : i32
      %cond3A_401 = arith.cmpi ne, %convert_element_type3A, %cond3A : i32
      scf.if %cond3A_401 {
        %add3A_421 = arith.constant 10 : i32
        %add3A_422 = arith.addi %scan3A_381, %add3A_421 : i32
        %ge3A = arith.constant 12 : i32
        %ge3A_423 = arith.cmpi sge, %add3A_422, %ge3A : i32
        %convert_element_type3A_424 = arith.extui %ge3A_423 : i1 to i32
        %cond3A_425 = arith.constant 0 : i32
        %cond3A_426 = arith.cmpi ne, %convert_element_type3A_424, %cond3A_425 : i32
        scf.if %cond3A_426 {
          %add3A_441 = arith.constant 10 : i32
          %add3A_442 = arith.addi %scan3A_381, %add3A_441 : i32
          %sub3A = arith.constant 12 : i32
          %sub3A_443 = arith.subi %add3A_442, %sub3A : i32
          %rem3A_444 = arith.constant 12 : i32
          %rem3A_445 = arith.remsi %sub3A_443, %rem3A_444 : i32
          %dma_wait3A_446 = arith.constant 0 : i32
          %dma_wait3A_447 = arith.constant 0 : i32
          %dma_wait3A_448 = tpu.memref_slice %arg6[%rem3A_445, %dma_wait3A_446, %dma_wait3A_447] : memref<12x50x64xf32, #tpu.memory_space<vmem>> -> memref<1x50x64xf32, #tpu.memory_space<vmem>>
          %dma_wait3A_449 = tpu.memref_squeeze %dma_wait3A_448 : memref<1x50x64xf32, #tpu.memory_space<vmem>> -> memref<50x64xf32, #tpu.memory_space<vmem>>
          %dma_wait3A_450 = arith.constant 0 : i32
          %dma_wait3A_451 = arith.constant 0 : i32
          %dma_wait3A_452 = tpu.memref_slice %arg4[%mul3A_2, %dma_wait3A_450, %dma_wait3A_451] : memref<16384x50x64xf32, #tpu.memory_space<hbm>> -> memref<1x50x64xf32, #tpu.memory_space<hbm>>
          %dma_wait3A_453 = tpu.memref_squeeze %dma_wait3A_452 : memref<1x50x64xf32, #tpu.memory_space<hbm>> -> memref<50x64xf32, #tpu.memory_space<hbm>>
          %dma_wait3A_454 = arith.constant 0 : i32
          %dma_wait3A_455 = arith.constant 0 : i32
          %dma_wait3A_456 = tpu.memref_slice %arg4[%mul3A_2, %dma_wait3A_454, %dma_wait3A_455] : memref<16384x50x64xf32, #tpu.memory_space<hbm>> -> memref<1x50x64xf32, #tpu.memory_space<hbm>>
          %dma_wait3A_457 = tpu.memref_squeeze %dma_wait3A_456 : memref<1x50x64xf32, #tpu.memory_space<hbm>> -> memref<50x64xf32, #tpu.memory_space<hbm>>
          %dma_wait3A_458 = arith.constant 0 : i32
          %dma_wait3A_459 = arith.constant 0 : i32
          %dma_wait3A_460 = tpu.memref_slice %arg6[%rem3A_445, %dma_wait3A_458, %dma_wait3A_459] : memref<12x50x64xf32, #tpu.memory_space<vmem>> -> memref<1x50x64xf32, #tpu.memory_space<vmem>>
          %dma_wait3A_461 = tpu.memref_squeeze %dma_wait3A_460 : memref<1x50x64xf32, #tpu.memory_space<vmem>> -> memref<50x64xf32, #tpu.memory_space<vmem>>
          tpu.wait_dma2 semaphore(%arg9 : memref<!tpu.dma_semaphore, #tpu.memory_space<semaphore_mem>>) src(%dma_wait3A_461 : memref<50x64xf32, #tpu.memory_space<vmem>>) dst(%dma_wait3A_457 : memref<50x64xf32, #tpu.memory_space<hbm>>)
        } else {
        }
        %add3A_427 = arith.constant 10 : i32
        %add3A_428 = arith.addi %scan3A_381, %add3A_427 : i32
        %rem3A_429 = arith.constant 12 : i32
        %rem3A_430 = arith.remsi %add3A_428, %rem3A_429 : i32
        %dma_start3A_431 = arith.constant 0 : i32
        %dma_start3A_432 = arith.constant 0 : i32
        %dma_start3A_433 = tpu.memref_slice %arg6[%rem3A_430, %dma_start3A_431, %dma_start3A_432] : memref<12x50x64xf32, #tpu.memory_space<vmem>> -> memref<1x50x64xf32, #tpu.memory_space<vmem>>
        %dma_start3A_434 = tpu.memref_squeeze %dma_start3A_433 : memref<1x50x64xf32, #tpu.memory_space<vmem>> -> memref<50x64xf32, #tpu.memory_space<vmem>>
        %dma_start3A_435 = arith.constant 0 : i32
        %dma_start3A_436 = tpu.memref_slice %arg5[%add3A_428, %dma_start3A_435] : memref<512x50xi32, #tpu.memory_space<vmem>> -> memref<1x50xi32, #tpu.memory_space<vmem>>
        %dma_start3A_437 = tpu.memref_squeeze %dma_start3A_436 : memref<1x50xi32, #tpu.memory_space<vmem>> -> memref<50xi32, #tpu.memory_space<vmem>>
        %dma_start3A_438 = arith.constant 0 : i32
        %dma_start3A_439 = arith.constant 0 : i32
        %dma_start3A_440 = tpu.memref_slice %arg3[%dma_start3A_438, %dma_start3A_439] : memref<1000000x64xf32, #tpu.memory_space<hbm>> -> memref<1000000x64xf32, #tpu.memory_space<hbm>>
        tpu.enqueue_indirect_dma source(%dma_start3A_440 : memref<1000000x64xf32, #tpu.memory_space<hbm>>) target(%dma_start3A_434 : memref<50x64xf32, #tpu.memory_space<vmem>>) offsets(%dma_start3A_437 : memref<50xi32, #tpu.memory_space<vmem>>) semaphore(%arg8 : memref<!tpu.dma_semaphore, #tpu.memory_space<semaphore_mem>>)
      } else {
      }
      %rem3A_402 = arith.constant 12 : i32
      %rem3A_403 = arith.remsi %scan3A_381, %rem3A_402 : i32
      %add3A_404 = arith.addi %mul3A_2, %scan3A_381 : i32
      %dma_start3A_405 = arith.constant 0 : i32
      %dma_start3A_406 = arith.constant 0 : i32
      %dma_start3A_407 = tpu.memref_slice %arg6[%rem3A_403, %dma_start3A_405, %dma_start3A_406] : memref<12x50x64xf32, #tpu.memory_space<vmem>> -> memref<1x50x64xf32, #tpu.memory_space<vmem>>
      %dma_start3A_408 = tpu.memref_squeeze %dma_start3A_407 : memref<1x50x64xf32, #tpu.memory_space<vmem>> -> memref<50x64xf32, #tpu.memory_space<vmem>>
      %dma_start3A_409 = arith.constant 0 : i32
      %dma_start3A_410 = arith.constant 0 : i32
      %dma_start3A_411 = tpu.memref_slice %arg4[%add3A_404, %dma_start3A_409, %dma_start3A_410] : memref<16384x50x64xf32, #tpu.memory_space<hbm>> -> memref<1x50x64xf32, #tpu.memory_space<hbm>>
      %dma_start3A_412 = tpu.memref_squeeze %dma_start3A_411 : memref<1x50x64xf32, #tpu.memory_space<hbm>> -> memref<50x64xf32, #tpu.memory_space<hbm>>
      %dma_start3A_413 = arith.constant 0 : i32
      %dma_start3A_414 = arith.constant 0 : i32
      %dma_start3A_415 = tpu.memref_slice %arg4[%add3A_404, %dma_start3A_413, %dma_start3A_414] : memref<16384x50x64xf32, #tpu.memory_space<hbm>> -> memref<1x50x64xf32, #tpu.memory_space<hbm>>
      %dma_start3A_416 = tpu.memref_squeeze %dma_start3A_415 : memref<1x50x64xf32, #tpu.memory_space<hbm>> -> memref<50x64xf32, #tpu.memory_space<hbm>>
      %dma_start3A_417 = arith.constant 0 : i32
      %dma_start3A_418 = arith.constant 0 : i32
      %dma_start3A_419 = tpu.memref_slice %arg6[%rem3A_403, %dma_start3A_417, %dma_start3A_418] : memref<12x50x64xf32, #tpu.memory_space<vmem>> -> memref<1x50x64xf32, #tpu.memory_space<vmem>>
      %dma_start3A_420 = tpu.memref_squeeze %dma_start3A_419 : memref<1x50x64xf32, #tpu.memory_space<vmem>> -> memref<50x64xf32, #tpu.memory_space<vmem>>
      tpu.enqueue_dma source(%dma_start3A_420 : memref<50x64xf32, #tpu.memory_space<vmem>>) target(%dma_start3A_416 : memref<50x64xf32, #tpu.memory_space<hbm>>) target_semaphore(%arg9 : memref<!tpu.dma_semaphore, #tpu.memory_space<semaphore_mem>>)
    }
    %scan3A_152 = arith.constant 512 : i32
    %rem3A_153 = arith.constant 500 : i32
    %rem3A_154 = arith.constant 12 : i32
    %rem3A_155 = arith.remsi %rem3A_153, %rem3A_154 : i32
    %dma_wait3A_156 = arith.constant 0 : i32
    %dma_wait3A_157 = arith.constant 0 : i32
    %dma_wait3A_158 = tpu.memref_slice %arg6[%rem3A_155, %dma_wait3A_156, %dma_wait3A_157] : memref<12x50x64xf32, #tpu.memory_space<vmem>> -> memref<1x50x64xf32, #tpu.memory_space<vmem>>
    %dma_wait3A_159 = tpu.memref_squeeze %dma_wait3A_158 : memref<1x50x64xf32, #tpu.memory_space<vmem>> -> memref<50x64xf32, #tpu.memory_space<vmem>>
    %dma_wait3A_160 = arith.constant 0 : i32
    %dma_wait3A_161 = arith.constant 0 : i32
    %dma_wait3A_162 = tpu.memref_slice %arg4[%mul3A_2, %dma_wait3A_160, %dma_wait3A_161] : memref<16384x50x64xf32, #tpu.memory_space<hbm>> -> memref<1x50x64xf32, #tpu.memory_space<hbm>>
    %dma_wait3A_163 = tpu.memref_squeeze %dma_wait3A_162 : memref<1x50x64xf32, #tpu.memory_space<hbm>> -> memref<50x64xf32, #tpu.memory_space<hbm>>
    %dma_wait3A_164 = arith.constant 0 : i32
    %dma_wait3A_165 = arith.constant 0 : i32
    %dma_wait3A_166 = tpu.memref_slice %arg4[%mul3A_2, %dma_wait3A_164, %dma_wait3A_165] : memref<16384x50x64xf32, #tpu.memory_space<hbm>> -> memref<1x50x64xf32, #tpu.memory_space<hbm>>
    %dma_wait3A_167 = tpu.memref_squeeze %dma_wait3A_166 : memref<1x50x64xf32, #tpu.memory_space<hbm>> -> memref<50x64xf32, #tpu.memory_space<hbm>>
    %dma_wait3A_168 = arith.constant 0 : i32
    %dma_wait3A_169 = arith.constant 0 : i32
    %dma_wait3A_170 = tpu.memref_slice %arg6[%rem3A_155, %dma_wait3A_168, %dma_wait3A_169] : memref<12x50x64xf32, #tpu.memory_space<vmem>> -> memref<1x50x64xf32, #tpu.memory_space<vmem>>
    %dma_wait3A_171 = tpu.memref_squeeze %dma_wait3A_170 : memref<1x50x64xf32, #tpu.memory_space<vmem>> -> memref<50x64xf32, #tpu.memory_space<vmem>>
    tpu.wait_dma2 semaphore(%arg9 : memref<!tpu.dma_semaphore, #tpu.memory_space<semaphore_mem>>) src(%dma_wait3A_171 : memref<50x64xf32, #tpu.memory_space<vmem>>) dst(%dma_wait3A_167 : memref<50x64xf32, #tpu.memory_space<hbm>>)
    %rem3A_172 = arith.constant 501 : i32
    %rem3A_173 = arith.constant 12 : i32
    %rem3A_174 = arith.remsi %rem3A_172, %rem3A_173 : i32
    %dma_wait3A_175 = arith.constant 0 : i32
    %dma_wait3A_176 = arith.constant 0 : i32
    %dma_wait3A_177 = tpu.memref_slice %arg6[%rem3A_174, %dma_wait3A_175, %dma_wait3A_176] : memref<12x50x64xf32, #tpu.memory_space<vmem>> -> memref<1x50x64xf32, #tpu.memory_space<vmem>>
    %dma_wait3A_178 = tpu.memref_squeeze %dma_wait3A_177 : memref<1x50x64xf32, #tpu.memory_space<vmem>> -> memref<50x64xf32, #tpu.memory_space<vmem>>
    %dma_wait3A_179 = arith.constant 0 : i32
    %dma_wait3A_180 = arith.constant 0 : i32
    %dma_wait3A_181 = tpu.memref_slice %arg4[%mul3A_2, %dma_wait3A_179, %dma_wait3A_180] : memref<16384x50x64xf32, #tpu.memory_space<hbm>> -> memref<1x50x64xf32, #tpu.memory_space<hbm>>
    %dma_wait3A_182 = tpu.memref_squeeze %dma_wait3A_181 : memref<1x50x64xf32, #tpu.memory_space<hbm>> -> memref<50x64xf32, #tpu.memory_space<hbm>>
    %dma_wait3A_183 = arith.constant 0 : i32
    %dma_wait3A_184 = arith.constant 0 : i32
    %dma_wait3A_185 = tpu.memref_slice %arg4[%mul3A_2, %dma_wait3A_183, %dma_wait3A_184] : memref<16384x50x64xf32, #tpu.memory_space<hbm>> -> memref<1x50x64xf32, #tpu.memory_space<hbm>>
    %dma_wait3A_186 = tpu.memref_squeeze %dma_wait3A_185 : memref<1x50x64xf32, #tpu.memory_space<hbm>> -> memref<50x64xf32, #tpu.memory_space<hbm>>
    %dma_wait3A_187 = arith.constant 0 : i32
    %dma_wait3A_188 = arith.constant 0 : i32
    %dma_wait3A_189 = tpu.memref_slice %arg6[%rem3A_174, %dma_wait3A_187, %dma_wait3A_188] : memref<12x50x64xf32, #tpu.memory_space<vmem>> -> memref<1x50x64xf32, #tpu.memory_space<vmem>>
    %dma_wait3A_190 = tpu.memref_squeeze %dma_wait3A_189 : memref<1x50x64xf32, #tpu.memory_space<vmem>> -> memref<50x64xf32, #tpu.memory_space<vmem>>
    tpu.wait_dma2 semaphore(%arg9 : memref<!tpu.dma_semaphore, #tpu.memory_space<semaphore_mem>>) src(%dma_wait3A_190 : memref<50x64xf32, #tpu.memory_space<vmem>>) dst(%dma_wait3A_186 : memref<50x64xf32, #tpu.memory_space<hbm>>)
    %rem3A_191 = arith.constant 502 : i32
    %rem3A_192 = arith.constant 12 : i32
    %rem3A_193 = arith.remsi %rem3A_191, %rem3A_192 : i32
    %dma_wait3A_194 = arith.constant 0 : i32
    %dma_wait3A_195 = arith.constant 0 : i32
    %dma_wait3A_196 = tpu.memref_slice %arg6[%rem3A_193, %dma_wait3A_194, %dma_wait3A_195] : memref<12x50x64xf32, #tpu.memory_space<vmem>> -> memref<1x50x64xf32, #tpu.memory_space<vmem>>
    %dma_wait3A_197 = tpu.memref_squeeze %dma_wait3A_196 : memref<1x50x64xf32, #tpu.memory_space<vmem>> -> memref<50x64xf32, #tpu.memory_space<vmem>>
    %dma_wait3A_198 = arith.constant 0 : i32
    %dma_wait3A_199 = arith.constant 0 : i32
    %dma_wait3A_200 = tpu.memref_slice %arg4[%mul3A_2, %dma_wait3A_198, %dma_wait3A_199] : memref<16384x50x64xf32, #tpu.memory_space<hbm>> -> memref<1x50x64xf32, #tpu.memory_space<hbm>>
    %dma_wait3A_201 = tpu.memref_squeeze %dma_wait3A_200 : memref<1x50x64xf32, #tpu.memory_space<hbm>> -> memref<50x64xf32, #tpu.memory_space<hbm>>
    %dma_wait3A_202 = arith.constant 0 : i32
    %dma_wait3A_203 = arith.constant 0 : i32
    %dma_wait3A_204 = tpu.memref_slice %arg4[%mul3A_2, %dma_wait3A_202, %dma_wait3A_203] : memref<16384x50x64xf32, #tpu.memory_space<hbm>> -> memref<1x50x64xf32, #tpu.memory_space<hbm>>
    %dma_wait3A_205 = tpu.memref_squeeze %dma_wait3A_204 : memref<1x50x64xf32, #tpu.memory_space<hbm>> -> memref<50x64xf32, #tpu.memory_space<hbm>>
    %dma_wait3A_206 = arith.constant 0 : i32
    %dma_wait3A_207 = arith.constant 0 : i32
    %dma_wait3A_208 = tpu.memref_slice %arg6[%rem3A_193, %dma_wait3A_206, %dma_wait3A_207] : memref<12x50x64xf32, #tpu.memory_space<vmem>> -> memref<1x50x64xf32, #tpu.memory_space<vmem>>
    %dma_wait3A_209 = tpu.memref_squeeze %dma_wait3A_208 : memref<1x50x64xf32, #tpu.memory_space<vmem>> -> memref<50x64xf32, #tpu.memory_space<vmem>>
    tpu.wait_dma2 semaphore(%arg9 : memref<!tpu.dma_semaphore, #tpu.memory_space<semaphore_mem>>) src(%dma_wait3A_209 : memref<50x64xf32, #tpu.memory_space<vmem>>) dst(%dma_wait3A_205 : memref<50x64xf32, #tpu.memory_space<hbm>>)
    %rem3A_210 = arith.constant 503 : i32
    %rem3A_211 = arith.constant 12 : i32
    %rem3A_212 = arith.remsi %rem3A_210, %rem3A_211 : i32
    %dma_wait3A_213 = arith.constant 0 : i32
    %dma_wait3A_214 = arith.constant 0 : i32
    %dma_wait3A_215 = tpu.memref_slice %arg6[%rem3A_212, %dma_wait3A_213, %dma_wait3A_214] : memref<12x50x64xf32, #tpu.memory_space<vmem>> -> memref<1x50x64xf32, #tpu.memory_space<vmem>>
    %dma_wait3A_216 = tpu.memref_squeeze %dma_wait3A_215 : memref<1x50x64xf32, #tpu.memory_space<vmem>> -> memref<50x64xf32, #tpu.memory_space<vmem>>
    %dma_wait3A_217 = arith.constant 0 : i32
    %dma_wait3A_218 = arith.constant 0 : i32
    %dma_wait3A_219 = tpu.memref_slice %arg4[%mul3A_2, %dma_wait3A_217, %dma_wait3A_218] : memref<16384x50x64xf32, #tpu.memory_space<hbm>> -> memref<1x50x64xf32, #tpu.memory_space<hbm>>
    %dma_wait3A_220 = tpu.memref_squeeze %dma_wait3A_219 : memref<1x50x64xf32, #tpu.memory_space<hbm>> -> memref<50x64xf32, #tpu.memory_space<hbm>>
    %dma_wait3A_221 = arith.constant 0 : i32
    %dma_wait3A_222 = arith.constant 0 : i32
    %dma_wait3A_223 = tpu.memref_slice %arg4[%mul3A_2, %dma_wait3A_221, %dma_wait3A_222] : memref<16384x50x64xf32, #tpu.memory_space<hbm>> -> memref<1x50x64xf32, #tpu.memory_space<hbm>>
    %dma_wait3A_224 = tpu.memref_squeeze %dma_wait3A_223 : memref<1x50x64xf32, #tpu.memory_space<hbm>> -> memref<50x64xf32, #tpu.memory_space<hbm>>
    %dma_wait3A_225 = arith.constant 0 : i32
    %dma_wait3A_226 = arith.constant 0 : i32
    %dma_wait3A_227 = tpu.memref_slice %arg6[%rem3A_212, %dma_wait3A_225, %dma_wait3A_226] : memref<12x50x64xf32, #tpu.memory_space<vmem>> -> memref<1x50x64xf32, #tpu.memory_space<vmem>>
    %dma_wait3A_228 = tpu.memref_squeeze %dma_wait3A_227 : memref<1x50x64xf32, #tpu.memory_space<vmem>> -> memref<50x64xf32, #tpu.memory_space<vmem>>
    tpu.wait_dma2 semaphore(%arg9 : memref<!tpu.dma_semaphore, #tpu.memory_space<semaphore_mem>>) src(%dma_wait3A_228 : memref<50x64xf32, #tpu.memory_space<vmem>>) dst(%dma_wait3A_224 : memref<50x64xf32, #tpu.memory_space<hbm>>)
    %rem3A_229 = arith.constant 504 : i32
    %rem3A_230 = arith.constant 12 : i32
    %rem3A_231 = arith.remsi %rem3A_229, %rem3A_230 : i32
    %dma_wait3A_232 = arith.constant 0 : i32
    %dma_wait3A_233 = arith.constant 0 : i32
    %dma_wait3A_234 = tpu.memref_slice %arg6[%rem3A_231, %dma_wait3A_232, %dma_wait3A_233] : memref<12x50x64xf32, #tpu.memory_space<vmem>> -> memref<1x50x64xf32, #tpu.memory_space<vmem>>
    %dma_wait3A_235 = tpu.memref_squeeze %dma_wait3A_234 : memref<1x50x64xf32, #tpu.memory_space<vmem>> -> memref<50x64xf32, #tpu.memory_space<vmem>>
    %dma_wait3A_236 = arith.constant 0 : i32
    %dma_wait3A_237 = arith.constant 0 : i32
    %dma_wait3A_238 = tpu.memref_slice %arg4[%mul3A_2, %dma_wait3A_236, %dma_wait3A_237] : memref<16384x50x64xf32, #tpu.memory_space<hbm>> -> memref<1x50x64xf32, #tpu.memory_space<hbm>>
    %dma_wait3A_239 = tpu.memref_squeeze %dma_wait3A_238 : memref<1x50x64xf32, #tpu.memory_space<hbm>> -> memref<50x64xf32, #tpu.memory_space<hbm>>
    %dma_wait3A_240 = arith.constant 0 : i32
    %dma_wait3A_241 = arith.constant 0 : i32
    %dma_wait3A_242 = tpu.memref_slice %arg4[%mul3A_2, %dma_wait3A_240, %dma_wait3A_241] : memref<16384x50x64xf32, #tpu.memory_space<hbm>> -> memref<1x50x64xf32, #tpu.memory_space<hbm>>
    %dma_wait3A_243 = tpu.memref_squeeze %dma_wait3A_242 : memref<1x50x64xf32, #tpu.memory_space<hbm>> -> memref<50x64xf32, #tpu.memory_space<hbm>>
    %dma_wait3A_244 = arith.constant 0 : i32
    %dma_wait3A_245 = arith.constant 0 : i32
    %dma_wait3A_246 = tpu.memref_slice %arg6[%rem3A_231, %dma_wait3A_244, %dma_wait3A_245] : memref<12x50x64xf32, #tpu.memory_space<vmem>> -> memref<1x50x64xf32, #tpu.memory_space<vmem>>
    %dma_wait3A_247 = tpu.memref_squeeze %dma_wait3A_246 : memref<1x50x64xf32, #tpu.memory_space<vmem>> -> memref<50x64xf32, #tpu.memory_space<vmem>>
    tpu.wait_dma2 semaphore(%arg9 : memref<!tpu.dma_semaphore, #tpu.memory_space<semaphore_mem>>) src(%dma_wait3A_247 : memref<50x64xf32, #tpu.memory_space<vmem>>) dst(%dma_wait3A_243 : memref<50x64xf32, #tpu.memory_space<hbm>>)
    %rem3A_248 = arith.constant 505 : i32
    %rem3A_249 = arith.constant 12 : i32
    %rem3A_250 = arith.remsi %rem3A_248, %rem3A_249 : i32
    %dma_wait3A_251 = arith.constant 0 : i32
    %dma_wait3A_252 = arith.constant 0 : i32
    %dma_wait3A_253 = tpu.memref_slice %arg6[%rem3A_250, %dma_wait3A_251, %dma_wait3A_252] : memref<12x50x64xf32, #tpu.memory_space<vmem>> -> memref<1x50x64xf32, #tpu.memory_space<vmem>>
    %dma_wait3A_254 = tpu.memref_squeeze %dma_wait3A_253 : memref<1x50x64xf32, #tpu.memory_space<vmem>> -> memref<50x64xf32, #tpu.memory_space<vmem>>
    %dma_wait3A_255 = arith.constant 0 : i32
    %dma_wait3A_256 = arith.constant 0 : i32
    %dma_wait3A_257 = tpu.memref_slice %arg4[%mul3A_2, %dma_wait3A_255, %dma_wait3A_256] : memref<16384x50x64xf32, #tpu.memory_space<hbm>> -> memref<1x50x64xf32, #tpu.memory_space<hbm>>
    %dma_wait3A_258 = tpu.memref_squeeze %dma_wait3A_257 : memref<1x50x64xf32, #tpu.memory_space<hbm>> -> memref<50x64xf32, #tpu.memory_space<hbm>>
    %dma_wait3A_259 = arith.constant 0 : i32
    %dma_wait3A_260 = arith.constant 0 : i32
    %dma_wait3A_261 = tpu.memref_slice %arg4[%mul3A_2, %dma_wait3A_259, %dma_wait3A_260] : memref<16384x50x64xf32, #tpu.memory_space<hbm>> -> memref<1x50x64xf32, #tpu.memory_space<hbm>>
    %dma_wait3A_262 = tpu.memref_squeeze %dma_wait3A_261 : memref<1x50x64xf32, #tpu.memory_space<hbm>> -> memref<50x64xf32, #tpu.memory_space<hbm>>
    %dma_wait3A_263 = arith.constant 0 : i32
    %dma_wait3A_264 = arith.constant 0 : i32
    %dma_wait3A_265 = tpu.memref_slice %arg6[%rem3A_250, %dma_wait3A_263, %dma_wait3A_264] : memref<12x50x64xf32, #tpu.memory_space<vmem>> -> memref<1x50x64xf32, #tpu.memory_space<vmem>>
    %dma_wait3A_266 = tpu.memref_squeeze %dma_wait3A_265 : memref<1x50x64xf32, #tpu.memory_space<vmem>> -> memref<50x64xf32, #tpu.memory_space<vmem>>
    tpu.wait_dma2 semaphore(%arg9 : memref<!tpu.dma_semaphore, #tpu.memory_space<semaphore_mem>>) src(%dma_wait3A_266 : memref<50x64xf32, #tpu.memory_space<vmem>>) dst(%dma_wait3A_262 : memref<50x64xf32, #tpu.memory_space<hbm>>)
    %rem3A_267 = arith.constant 506 : i32
    %rem3A_268 = arith.constant 12 : i32
    %rem3A_269 = arith.remsi %rem3A_267, %rem3A_268 : i32
    %dma_wait3A_270 = arith.constant 0 : i32
    %dma_wait3A_271 = arith.constant 0 : i32
    %dma_wait3A_272 = tpu.memref_slice %arg6[%rem3A_269, %dma_wait3A_270, %dma_wait3A_271] : memref<12x50x64xf32, #tpu.memory_space<vmem>> -> memref<1x50x64xf32, #tpu.memory_space<vmem>>
    %dma_wait3A_273 = tpu.memref_squeeze %dma_wait3A_272 : memref<1x50x64xf32, #tpu.memory_space<vmem>> -> memref<50x64xf32, #tpu.memory_space<vmem>>
    %dma_wait3A_274 = arith.constant 0 : i32
    %dma_wait3A_275 = arith.constant 0 : i32
    %dma_wait3A_276 = tpu.memref_slice %arg4[%mul3A_2, %dma_wait3A_274, %dma_wait3A_275] : memref<16384x50x64xf32, #tpu.memory_space<hbm>> -> memref<1x50x64xf32, #tpu.memory_space<hbm>>
    %dma_wait3A_277 = tpu.memref_squeeze %dma_wait3A_276 : memref<1x50x64xf32, #tpu.memory_space<hbm>> -> memref<50x64xf32, #tpu.memory_space<hbm>>
    %dma_wait3A_278 = arith.constant 0 : i32
    %dma_wait3A_279 = arith.constant 0 : i32
    %dma_wait3A_280 = tpu.memref_slice %arg4[%mul3A_2, %dma_wait3A_278, %dma_wait3A_279] : memref<16384x50x64xf32, #tpu.memory_space<hbm>> -> memref<1x50x64xf32, #tpu.memory_space<hbm>>
    %dma_wait3A_281 = tpu.memref_squeeze %dma_wait3A_280 : memref<1x50x64xf32, #tpu.memory_space<hbm>> -> memref<50x64xf32, #tpu.memory_space<hbm>>
    %dma_wait3A_282 = arith.constant 0 : i32
    %dma_wait3A_283 = arith.constant 0 : i32
    %dma_wait3A_284 = tpu.memref_slice %arg6[%rem3A_269, %dma_wait3A_282, %dma_wait3A_283] : memref<12x50x64xf32, #tpu.memory_space<vmem>> -> memref<1x50x64xf32, #tpu.memory_space<vmem>>
    %dma_wait3A_285 = tpu.memref_squeeze %dma_wait3A_284 : memref<1x50x64xf32, #tpu.memory_space<vmem>> -> memref<50x64xf32, #tpu.memory_space<vmem>>
    tpu.wait_dma2 semaphore(%arg9 : memref<!tpu.dma_semaphore, #tpu.memory_space<semaphore_mem>>) src(%dma_wait3A_285 : memref<50x64xf32, #tpu.memory_space<vmem>>) dst(%dma_wait3A_281 : memref<50x64xf32, #tpu.memory_space<hbm>>)
    %rem3A_286 = arith.constant 507 : i32
    %rem3A_287 = arith.constant 12 : i32
    %rem3A_288 = arith.remsi %rem3A_286, %rem3A_287 : i32
    %dma_wait3A_289 = arith.constant 0 : i32
    %dma_wait3A_290 = arith.constant 0 : i32
    %dma_wait3A_291 = tpu.memref_slice %arg6[%rem3A_288, %dma_wait3A_289, %dma_wait3A_290] : memref<12x50x64xf32, #tpu.memory_space<vmem>> -> memref<1x50x64xf32, #tpu.memory_space<vmem>>
    %dma_wait3A_292 = tpu.memref_squeeze %dma_wait3A_291 : memref<1x50x64xf32, #tpu.memory_space<vmem>> -> memref<50x64xf32, #tpu.memory_space<vmem>>
    %dma_wait3A_293 = arith.constant 0 : i32
    %dma_wait3A_294 = arith.constant 0 : i32
    %dma_wait3A_295 = tpu.memref_slice %arg4[%mul3A_2, %dma_wait3A_293, %dma_wait3A_294] : memref<16384x50x64xf32, #tpu.memory_space<hbm>> -> memref<1x50x64xf32, #tpu.memory_space<hbm>>
    %dma_wait3A_296 = tpu.memref_squeeze %dma_wait3A_295 : memref<1x50x64xf32, #tpu.memory_space<hbm>> -> memref<50x64xf32, #tpu.memory_space<hbm>>
    %dma_wait3A_297 = arith.constant 0 : i32
    %dma_wait3A_298 = arith.constant 0 : i32
    %dma_wait3A_299 = tpu.memref_slice %arg4[%mul3A_2, %dma_wait3A_297, %dma_wait3A_298] : memref<16384x50x64xf32, #tpu.memory_space<hbm>> -> memref<1x50x64xf32, #tpu.memory_space<hbm>>
    %dma_wait3A_300 = tpu.memref_squeeze %dma_wait3A_299 : memref<1x50x64xf32, #tpu.memory_space<hbm>> -> memref<50x64xf32, #tpu.memory_space<hbm>>
    %dma_wait3A_301 = arith.constant 0 : i32
    %dma_wait3A_302 = arith.constant 0 : i32
    %dma_wait3A_303 = tpu.memref_slice %arg6[%rem3A_288, %dma_wait3A_301, %dma_wait3A_302] : memref<12x50x64xf32, #tpu.memory_space<vmem>> -> memref<1x50x64xf32, #tpu.memory_space<vmem>>
    %dma_wait3A_304 = tpu.memref_squeeze %dma_wait3A_303 : memref<1x50x64xf32, #tpu.memory_space<vmem>> -> memref<50x64xf32, #tpu.memory_space<vmem>>
    tpu.wait_dma2 semaphore(%arg9 : memref<!tpu.dma_semaphore, #tpu.memory_space<semaphore_mem>>) src(%dma_wait3A_304 : memref<50x64xf32, #tpu.memory_space<vmem>>) dst(%dma_wait3A_300 : memref<50x64xf32, #tpu.memory_space<hbm>>)
    %rem3A_305 = arith.constant 508 : i32
    %rem3A_306 = arith.constant 12 : i32
    %rem3A_307 = arith.remsi %rem3A_305, %rem3A_306 : i32
    %dma_wait3A_308 = arith.constant 0 : i32
    %dma_wait3A_309 = arith.constant 0 : i32
    %dma_wait3A_310 = tpu.memref_slice %arg6[%rem3A_307, %dma_wait3A_308, %dma_wait3A_309] : memref<12x50x64xf32, #tpu.memory_space<vmem>> -> memref<1x50x64xf32, #tpu.memory_space<vmem>>
    %dma_wait3A_311 = tpu.memref_squeeze %dma_wait3A_310 : memref<1x50x64xf32, #tpu.memory_space<vmem>> -> memref<50x64xf32, #tpu.memory_space<vmem>>
    %dma_wait3A_312 = arith.constant 0 : i32
    %dma_wait3A_313 = arith.constant 0 : i32
    %dma_wait3A_314 = tpu.memref_slice %arg4[%mul3A_2, %dma_wait3A_312, %dma_wait3A_313] : memref<16384x50x64xf32, #tpu.memory_space<hbm>> -> memref<1x50x64xf32, #tpu.memory_space<hbm>>
    %dma_wait3A_315 = tpu.memref_squeeze %dma_wait3A_314 : memref<1x50x64xf32, #tpu.memory_space<hbm>> -> memref<50x64xf32, #tpu.memory_space<hbm>>
    %dma_wait3A_316 = arith.constant 0 : i32
    %dma_wait3A_317 = arith.constant 0 : i32
    %dma_wait3A_318 = tpu.memref_slice %arg4[%mul3A_2, %dma_wait3A_316, %dma_wait3A_317] : memref<16384x50x64xf32, #tpu.memory_space<hbm>> -> memref<1x50x64xf32, #tpu.memory_space<hbm>>
    %dma_wait3A_319 = tpu.memref_squeeze %dma_wait3A_318 : memref<1x50x64xf32, #tpu.memory_space<hbm>> -> memref<50x64xf32, #tpu.memory_space<hbm>>
    %dma_wait3A_320 = arith.constant 0 : i32
    %dma_wait3A_321 = arith.constant 0 : i32
    %dma_wait3A_322 = tpu.memref_slice %arg6[%rem3A_307, %dma_wait3A_320, %dma_wait3A_321] : memref<12x50x64xf32, #tpu.memory_space<vmem>> -> memref<1x50x64xf32, #tpu.memory_space<vmem>>
    %dma_wait3A_323 = tpu.memref_squeeze %dma_wait3A_322 : memref<1x50x64xf32, #tpu.memory_space<vmem>> -> memref<50x64xf32, #tpu.memory_space<vmem>>
    tpu.wait_dma2 semaphore(%arg9 : memref<!tpu.dma_semaphore, #tpu.memory_space<semaphore_mem>>) src(%dma_wait3A_323 : memref<50x64xf32, #tpu.memory_space<vmem>>) dst(%dma_wait3A_319 : memref<50x64xf32, #tpu.memory_space<hbm>>)
    %rem3A_324 = arith.constant 509 : i32
    %rem3A_325 = arith.constant 12 : i32
    %rem3A_326 = arith.remsi %rem3A_324, %rem3A_325 : i32
    %dma_wait3A_327 = arith.constant 0 : i32
    %dma_wait3A_328 = arith.constant 0 : i32
    %dma_wait3A_329 = tpu.memref_slice %arg6[%rem3A_326, %dma_wait3A_327, %dma_wait3A_328] : memref<12x50x64xf32, #tpu.memory_space<vmem>> -> memref<1x50x64xf32, #tpu.memory_space<vmem>>
    %dma_wait3A_330 = tpu.memref_squeeze %dma_wait3A_329 : memref<1x50x64xf32, #tpu.memory_space<vmem>> -> memref<50x64xf32, #tpu.memory_space<vmem>>
    %dma_wait3A_331 = arith.constant 0 : i32
    %dma_wait3A_332 = arith.constant 0 : i32
    %dma_wait3A_333 = tpu.memref_slice %arg4[%mul3A_2, %dma_wait3A_331, %dma_wait3A_332] : memref<16384x50x64xf32, #tpu.memory_space<hbm>> -> memref<1x50x64xf32, #tpu.memory_space<hbm>>
    %dma_wait3A_334 = tpu.memref_squeeze %dma_wait3A_333 : memref<1x50x64xf32, #tpu.memory_space<hbm>> -> memref<50x64xf32, #tpu.memory_space<hbm>>
    %dma_wait3A_335 = arith.constant 0 : i32
    %dma_wait3A_336 = arith.constant 0 : i32
    %dma_wait3A_337 = tpu.memref_slice %arg4[%mul3A_2, %dma_wait3A_335, %dma_wait3A_336] : memref<16384x50x64xf32, #tpu.memory_space<hbm>> -> memref<1x50x64xf32, #tpu.memory_space<hbm>>
    %dma_wait3A_338 = tpu.memref_squeeze %dma_wait3A_337 : memref<1x50x64xf32, #tpu.memory_space<hbm>> -> memref<50x64xf32, #tpu.memory_space<hbm>>
    %dma_wait3A_339 = arith.constant 0 : i32
    %dma_wait3A_340 = arith.constant 0 : i32
    %dma_wait3A_341 = tpu.memref_slice %arg6[%rem3A_326, %dma_wait3A_339, %dma_wait3A_340] : memref<12x50x64xf32, #tpu.memory_space<vmem>> -> memref<1x50x64xf32, #tpu.memory_space<vmem>>
    %dma_wait3A_342 = tpu.memref_squeeze %dma_wait3A_341 : memref<1x50x64xf32, #tpu.memory_space<vmem>> -> memref<50x64xf32, #tpu.memory_space<vmem>>
    tpu.wait_dma2 semaphore(%arg9 : memref<!tpu.dma_semaphore, #tpu.memory_space<semaphore_mem>>) src(%dma_wait3A_342 : memref<50x64xf32, #tpu.memory_space<vmem>>) dst(%dma_wait3A_338 : memref<50x64xf32, #tpu.memory_space<hbm>>)
    %rem3A_343 = arith.constant 510 : i32
    %rem3A_344 = arith.constant 12 : i32
    %rem3A_345 = arith.remsi %rem3A_343, %rem3A_344 : i32
    %dma_wait3A_346 = arith.constant 0 : i32
    %dma_wait3A_347 = arith.constant 0 : i32
    %dma_wait3A_348 = tpu.memref_slice %arg6[%rem3A_345, %dma_wait3A_346, %dma_wait3A_347] : memref<12x50x64xf32, #tpu.memory_space<vmem>> -> memref<1x50x64xf32, #tpu.memory_space<vmem>>
    %dma_wait3A_349 = tpu.memref_squeeze %dma_wait3A_348 : memref<1x50x64xf32, #tpu.memory_space<vmem>> -> memref<50x64xf32, #tpu.memory_space<vmem>>
    %dma_wait3A_350 = arith.constant 0 : i32
    %dma_wait3A_351 = arith.constant 0 : i32
    %dma_wait3A_352 = tpu.memref_slice %arg4[%mul3A_2, %dma_wait3A_350, %dma_wait3A_351] : memref<16384x50x64xf32, #tpu.memory_space<hbm>> -> memref<1x50x64xf32, #tpu.memory_space<hbm>>
    %dma_wait3A_353 = tpu.memref_squeeze %dma_wait3A_352 : memref<1x50x64xf32, #tpu.memory_space<hbm>> -> memref<50x64xf32, #tpu.memory_space<hbm>>
    %dma_wait3A_354 = arith.constant 0 : i32
    %dma_wait3A_355 = arith.constant 0 : i32
    %dma_wait3A_356 = tpu.memref_slice %arg4[%mul3A_2, %dma_wait3A_354, %dma_wait3A_355] : memref<16384x50x64xf32, #tpu.memory_space<hbm>> -> memref<1x50x64xf32, #tpu.memory_space<hbm>>
    %dma_wait3A_357 = tpu.memref_squeeze %dma_wait3A_356 : memref<1x50x64xf32, #tpu.memory_space<hbm>> -> memref<50x64xf32, #tpu.memory_space<hbm>>
    %dma_wait3A_358 = arith.constant 0 : i32
    %dma_wait3A_359 = arith.constant 0 : i32
    %dma_wait3A_360 = tpu.memref_slice %arg6[%rem3A_345, %dma_wait3A_358, %dma_wait3A_359] : memref<12x50x64xf32, #tpu.memory_space<vmem>> -> memref<1x50x64xf32, #tpu.memory_space<vmem>>
    %dma_wait3A_361 = tpu.memref_squeeze %dma_wait3A_360 : memref<1x50x64xf32, #tpu.memory_space<vmem>> -> memref<50x64xf32, #tpu.memory_space<vmem>>
    tpu.wait_dma2 semaphore(%arg9 : memref<!tpu.dma_semaphore, #tpu.memory_space<semaphore_mem>>) src(%dma_wait3A_361 : memref<50x64xf32, #tpu.memory_space<vmem>>) dst(%dma_wait3A_357 : memref<50x64xf32, #tpu.memory_space<hbm>>)
    %rem3A_362 = arith.constant 511 : i32
    %rem3A_363 = arith.constant 12 : i32
    %rem3A_364 = arith.remsi %rem3A_362, %rem3A_363 : i32
    %dma_wait3A_365 = arith.constant 0 : i32
    %dma_wait3A_366 = arith.constant 0 : i32
    %dma_wait3A_367 = tpu.memref_slice %arg6[%rem3A_364, %dma_wait3A_365, %dma_wait3A_366] : memref<12x50x64xf32, #tpu.memory_space<vmem>> -> memref<1x50x64xf32, #tpu.memory_space<vmem>>
    %dma_wait3A_368 = tpu.memref_squeeze %dma_wait3A_367 : memref<1x50x64xf32, #tpu.memory_space<vmem>> -> memref<50x64xf32, #tpu.memory_space<vmem>>
    %dma_wait3A_369 = arith.constant 0 : i32
    %dma_wait3A_370 = arith.constant 0 : i32
    %dma_wait3A_371 = tpu.memref_slice %arg4[%mul3A_2, %dma_wait3A_369, %dma_wait3A_370] : memref<16384x50x64xf32, #tpu.memory_space<hbm>> -> memref<1x50x64xf32, #tpu.memory_space<hbm>>
    %dma_wait3A_372 = tpu.memref_squeeze %dma_wait3A_371 : memref<1x50x64xf32, #tpu.memory_space<hbm>> -> memref<50x64xf32, #tpu.memory_space<hbm>>
    %dma_wait3A_373 = arith.constant 0 : i32
    %dma_wait3A_374 = arith.constant 0 : i32
    %dma_wait3A_375 = tpu.memref_slice %arg4[%mul3A_2, %dma_wait3A_373, %dma_wait3A_374] : memref<16384x50x64xf32, #tpu.memory_space<hbm>> -> memref<1x50x64xf32, #tpu.memory_space<hbm>>
    %dma_wait3A_376 = tpu.memref_squeeze %dma_wait3A_375 : memref<1x50x64xf32, #tpu.memory_space<hbm>> -> memref<50x64xf32, #tpu.memory_space<hbm>>
    %dma_wait3A_377 = arith.constant 0 : i32
    %dma_wait3A_378 = arith.constant 0 : i32
    %dma_wait3A_379 = tpu.memref_slice %arg6[%rem3A_364, %dma_wait3A_377, %dma_wait3A_378] : memref<12x50x64xf32, #tpu.memory_space<vmem>> -> memref<1x50x64xf32, #tpu.memory_space<vmem>>
    %dma_wait3A_380 = tpu.memref_squeeze %dma_wait3A_379 : memref<1x50x64xf32, #tpu.memory_space<vmem>> -> memref<50x64xf32, #tpu.memory_space<vmem>>
    tpu.wait_dma2 semaphore(%arg9 : memref<!tpu.dma_semaphore, #tpu.memory_space<semaphore_mem>>) src(%dma_wait3A_380 : memref<50x64xf32, #tpu.memory_space<vmem>>) dst(%dma_wait3A_376 : memref<50x64xf32, #tpu.memory_space<hbm>>)
    return
  }
}

</mosaic_0001>

<sc_bundles>
// kernel: kernel.3.cloned.1.call-start
scs
__scs_entry_jumppad:
0x0: {  	(pc) =	sbr.rel $0x88, $3  }
0x1: {  	(tag) =	ssettag $0x0;
	lr =	simm.s32 $0x1  }
0x2: {  	[smem:$0x3F9F] =	sst lr;
	_ =	strace $0xD0000000  }
0x3: {  	_ = 	snop  }
0x4: {  	_ = 	snop  }
0x5: {  	_ = 	snop  }
0x6: {  	_ = 	snop  }
0x7: {  	_ = 	snop  }
__scs_overlays_trampoline_lowered:
0x8: {  	[smem:$0x3FAE] =	sst s0  }
0x9: {  	[smem:$0x3FAF] =	sst s1  }
0xa: {  	[smem:$0x3FB0] =	sst s2  }
0xb: {  	[smem:$0x3FB1] =	sst s3  }
0xc: {  	[smem:$0x3FB2] =	sst s4  }
0xd: {  	[smem:$0x3FB3] =	sst s5  }
0xe: {  	[smem:$0x3FB4] =	sst s6  }
0xf: {  	[smem:$0x3FB5] =	sst s7  }
0x10: {  	[smem:$0x3FB6] =	sst s8  }
0x11: {  	[smem:$0x3FB7] =	sst s9;
	s0 =	simm.s32 @!p0 $0x0  }
0x12: {  	s1 =	sld [smem:$0x3F9D];
	s0 =	simm.s32 @p0 $0x1  }
0x13: {  	[smem:$0x3FB8] =	sst s0;
	s0 =	simm.s32 @!p1 $0x0  }
0x14: {  	s2 =	sld [smem:$0x3F9C];
	s0 =	simm.s32 @p1 $0x1  }
0x15: {  	[smem:$0x3FB9] =	sst s0;
	s0 =	simm.s32 @!p2 $0x0  }
0x16: {  	s3 =	sld [smem:$0x3FDB];
	s0 =	simm.s32 @p2 $0x1  }
0x17: {  	s4 =	simm.s32 $0x1BF5;
	[smem:$0x3FBB] =	sst s0  }
0x18: {  	s0 =	sld [smem:$0x3F9E];
	_ =	swait.ge [sflag:s4], $0x0  }
0x19: {  	s7 =	sld [smem:$0x3F9F]  }
0x1a: {  	s8 =	sadd.s32 $0xFFFFE003, lr  }
0x1b: {  	s9 =	sadd.s32 $0xFFFFFEF7, lr;
	s5 =	simm.s32 $0xFFFFFFFF;
	p2 =	slt.u32 s8, $0xFFFFF086  }
0x1c: {  	p1 =	slt.u32 s9, $0xF7A;
	s5 =	simm.s32 @!p2 $0x0  }
0x1d: {  	s5 =	simm.s32 @p1 $0x1;
	p0 =	seq.s32 s7, s2  }
0x1e: {  	s7 =	smul.u32 @!p0 $0xF7A, s2;
	p2 =	seq.s32 @!p0 s5, $0x0  }
0x1f: {  	s9 =	smul.u32 $0xF7A, s1;
	s8 =	simm.s32 @!p0 $0x1BF5;
	p2 =	por !p2, p0  }
0x20: {  	[sflag:s8] =	ssyncset.s32 @!p0 $0xFFFFF086;
	s6 =	sadd.s32 @!p0 s3, s7;
	s7 =	simm.s32 @!p0 $0x108  }
0x21: {  	s3 =	sadd.s32 s3, s9;
	s6 =	sadd.s32 @!p0 $0x88, s6;
	s7 =	simm.s32 @p2 $0x1082  }
0x22: {  	[simem:s7], [sflag:s8] =	dma.local @!p0 [hbm:s6], $0xF7A  }
0x23: {  	s9 =	sor.u32 $0xD0000000, s2;
	s6 =	simm.s32 $0x108;
	_ =	swait.ge @!p0 [sflag:s8], $0x0  }
0x24: {  	s3 =	sadd.s32 $0x88, s3;
	s6 =	simm.s32 @!p1 $0x1082;
	[sflag:s4] =	ssyncset.s32 $0xFFFFF086  }
0x25: {  	[simem:s6], [sflag:s4] =	dma.local [hbm:s3], $0xF7A  }
0x26: {  	[smem:$0x3F9F] =	sst s1;
	(tag) =	ssettag s2;
	_ =	strace s9  }
0x27: {  	s1 =	sld [smem:$0x3FAF]  }
0x28: {  	s2 =	sld [smem:$0x3FB0]  }
0x29: {  	s4 =	sld [smem:$0x3FB2]  }
0x2a: {  	p0 =	seq.s32 s5, $0x0;
	s5 =	sld [smem:$0x3FB3]  }
0x2b: {  	s6 =	sld [smem:$0x3FB4]  }
0x2c: {  	s7 =	sld [smem:$0x3FB5]  }
0x2d: {  	s3 =	simm.s32 $0x108;
	s8 =	sld [smem:$0x3FB6]  }
0x2e: {  	s3 =	simm.s32 @!p0 $0x1082;
	s9 =	sld [smem:$0x3FB7]  }
0x2f: {  	lr =	sadd.s32 s0, s3;
	s0 =	sld [smem:$0x3FAE]  }
0x30: {  	s3 =	sld [smem:$0x3FB1]  }
0x31: {  	[smem:$0x3FBA] =	sst s10  }
0x32: {  	s10 =	sld [smem:$0x3FB8];
	_ =	sdelay $0x3  }
0x33: {  	p0 =	seq.s32 s10, $0x1;
	s10 =	sld [smem:$0x3FBA];
	_ =	sdelay $0x3  }
0x34: {  	[smem:$0x3FBA] =	sst s10  }
0x35: {  	s10 =	sld [smem:$0x3FB9];
	_ =	sdelay $0x3  }
0x36: {  	p1 =	seq.s32 s10, $0x1;
	s10 =	sld [smem:$0x3FBA];
	_ =	sdelay $0x3  }
0x37: {  	[smem:$0x3FBA] =	sst s10  }
0x38: {  	s10 =	sld [smem:$0x3FBB]  }
0x39: {  	_ = 	snop;
	(pc) =	sbr.ind lr, $3  }
0x3a: {  	_ = 	snop  }
0x3b: {  	_ = 	snop  }
0x3c: {  	p2 =	seq.s32 s10, $0x1;
	s10 =	sld [smem:$0x3FBA]  }
0x3d: {  	_ =	shalt  }
0x3e: {  	_ =	shalt  }
0x3f: {  	_ =	shalt  }
0x40: {  	_ =	shalt  }
0x41: {  	_ =	shalt  }
0x42: {  	_ =	shalt  }
0x43: {  	_ =	shalt  }
0x44: {  	_ =	shalt  }
0x45: {  	_ =	shalt  }
0x46: {  	_ =	shalt  }
0x47: {  	_ =	shalt  }
0x48: {  	_ =	shalt  }
0x49: {  	_ =	shalt  }
0x4a: {  	_ =	shalt  }
0x4b: {  	_ =	shalt  }
0x4c: {  	_ =	shalt  }
0x4d: {  	_ =	shalt  }
0x4e: {  	_ =	shalt  }
0x4f: {  	_ =	shalt  }
0x50: {  	_ =	shalt  }
0x51: {  	_ =	shalt  }
0x52: {  	_ =	shalt  }
0x53: {  	_ =	shalt  }
0x54: {  	_ =	shalt  }
0x55: {  	_ =	shalt  }
0x56: {  	_ =	shalt  }
0x57: {  	_ =	shalt  }
0x58: {  	_ =	shalt  }
0x59: {  	_ =	shalt  }
0x5a: {  	_ =	shalt  }
0x5b: {  	_ =	shalt  }
0x5c: {  	_ =	shalt  }
0x5d: {  	_ =	shalt  }
0x5e: {  	_ =	shalt  }
0x5f: {  	_ =	shalt  }
0x60: {  	_ =	shalt  }
0x61: {  	_ =	shalt  }
0x62: {  	_ =	shalt  }
0x63: {  	_ =	shalt  }
0x64: {  	_ =	shalt  }
0x65: {  	_ =	shalt  }
0x66: {  	_ =	shalt  }
0x67: {  	_ =	shalt  }
0x68: {  	_ =	shalt  }
0x69: {  	_ =	shalt  }
0x6a: {  	_ =	shalt  }
0x6b: {  	_ =	shalt  }
0x6c: {  	_ =	shalt  }
0x6d: {  	_ =	shalt  }
0x6e: {  	_ =	shalt  }
0x6f: {  	_ =	shalt  }
0x70: {  	_ =	shalt  }
0x71: {  	_ =	shalt  }
0x72: {  	_ =	shalt  }
0x73: {  	_ =	shalt  }
0x74: {  	_ =	shalt  }
0x75: {  	_ =	shalt  }
0x76: {  	_ =	shalt  }
0x77: {  	_ =	shalt  }
0x78: {  	_ =	shalt  }
0x79: {  	_ =	shalt  }
0x7a: {  	_ =	shalt  }
0x7b: {  	_ =	shalt  }
0x7c: {  	_ =	shalt  }
0x7d: {  	_ =	shalt  }
0x7e: {  	_ =	shalt  }
0x7f: {  	_ =	shalt  }
0x80: {  	_ =	shalt  }
0x81: {  	_ =	shalt  }
0x82: {  	_ =	shalt  }
0x83: {  	_ =	shalt  }
0x84: {  	_ =	shalt  }
0x85: {  	_ =	shalt  }
0x86: {  	_ =	shalt  }
0x87: {  	_ =	shalt  }
.Lfunc_end0:
.L_simem_size_0:
called_computation.1_lowered:
.L_overlay_start_0:
0x88: {  	s2 =	sld [smem:$0x3FD9]  }
0x89: {  	s3 =	sld [smem:$0x3FFE];
	_ =	sdelay $0x1  }
0x8a: {  	s1 =	srdreg.scid  }
0x8b: {  	s0 =	sand.u32 $0x1, s1  }
0x8c: {  	s17 =	sshll.u32 s0, $0xA;
	s2 =	sadd.s32 s3, s2  }
0x8d: {  	s2 =	sadd.s32 s2, s17  }
0x8e: {  	[smem:$0x3FC6] =	sst s2  }
0x8f: {  	_ = 	snop  }
0x90: {  	s2 =	sld [smem:$0x3FD0];
	(tm) =	ssettm $0x1  }
0x91: {  	s18 =	sld [smem:$0x3FFB];
	_ =	sdelay $0x3  }
0x92: {  	_ =	strace s18  }
0x93: {  	s3 =	sld [smem:$0x3FFC];
	_ =	sdelay $0x3  }
0x94: {  	_ =	strace s3  }
0x95: {  	s3 =	sld [smem:$0x3FFD];
	_ =	sdelay $0x3  }
0x96: {  	_ =	strace s3  }
0x97: {  	_ =	strace $0x8FFFFFFF  }
0x98: {  	s19 =	sld [smem:$0x3FDB];
	_ =	sdelay $0x1  }
0x99: {  	s4 =	simm.s32 $_scs_section_size  }
0x9a: {  	s5 =	simm.s32 $_size__tile_overlayer_lowered;
	s6 =	simm.s32 $_tile_overlayer_lowered  }
0x9b: {  	s22 =	simm.s32 $0x1BFF;
	s21 =	sshll.u32 s6, $0x1;
	s3 =	sadd.s32 s4, s19  }
0x9c: {  	s7 =	simm.s32 $0x0;
	s20 =	sshll.u32 s5, $0x1;
	s5 =	sadd.s32 s21, s3  }
0x9d: {  	[timem:s7], [sflag:s22] =	dma.local [hbm:s5], s20  }
0x9e: {  	_ =	swait.ge [sflag:s22], s20  }
0x9f: {  	s4 =	ssub.s32 $0x0, s20;
	[sflag:s22] =	ssyncset.done $0x0  }
0xa0: {  	[sflag:s22] =	ssyncadd.s32 s4;
	_ =	sdelay $0x1  }
0xa1: {  	s23 =	simm.s32 $0x1B8B  }
0xa2: {  	_ =	swait.ge [sflag:s23], $0x1  }
0xa3: {  	[sflag:s23] =	ssyncset.done $0x0  }
0xa4: {  	s25 =	simm.s32 $0x1B8E;
	s24 =	sld [smem:$0x3FFE];
	[sflag:s23] =	ssyncadd.s32 $0xFFFFFFFF  }
0xa5: {  	s26 =	simm.s32 $execute0_lowered;
	[smem:$0x3FD2] =	sst s25  }
0xa6: {  	s5 =	sshll.u32 s26, $0x1;
	_ =	strace $0x80000046;
	[dreg:$0x1] =	wrdreg $0xFFFFFFFF  }
0xa7: {  	s28 =	simm.s32 $_size_execute0_lowered;
	s3 =	sadd.s32 s3, s5;
	[dreg:$0x0] =	wrdreg $0x0  }
0xa8: {  	s5 =	sshll.u32 s28, $0x1;
	[dreg:$0x2] =	wrdreg s3  }
0xa9: {  	[dreg:$0x3] =	wrdreg s5  }
0xaa: {  	[dreg:$0x4] =	wrdreg $0xC0  }
0xab: {  	_ =	task [dreg:s7], $0x5FFFF  }
0xac: {  	[dreg:$0x1] =	wrdreg $0xFFFFFFFF  }
0xad: {  	[dreg:$0x0] =	wrdreg $0x60  }
0xae: {  	[dreg:$0x2] =	wrdreg s24  }
0xaf: {  	[dreg:$0x3] =	wrdreg s2  }
0xb0: {  	[dreg:$0x4] =	wrdreg $0x9  }
0xb1: {  	_ =	task.clear_ibuf [dreg:s7], $0x5FFFF;
	_ =	strace $0x90000046  }
0xb2: {  	s29 =	simm.s32 $0x9;
	_ =	strace $0x80000048  }
0xb3: {  	_ =	swait.ge [sflag:s29], $0x1  }
0xb4: {  	[sflag:s29] =	ssyncadd.s32 $0xFFFFFFFF  }
0xb5: {  	_ =	strace $0x90000048  }
0xb6: {  	_ =	sfence  }
0xb7: {  	s30 =	sld [smem:$0x0];
	_ =	sdelay $0x2  }
0xb8: {  	s31 =	sshll.u32 s1, $0xD;
	s1 =	sshrl.u32 s1, $0x2  }
0xb9: {  	s3 =	sand.u32 $0x4000, s31;
	s1 =	sadd.s32 s1, s30  }
0xba: {  	s0 =	sor.u32 s3, s0;
	s1 =	sshll.u32 s1, $0x11  }
0xbb: {  	s0 =	sor.u32 s1, s0  }
0xbc: {  	s0 =	sadd.s32 $0x8F2B, s0  }
0xbd: {  	[sflag:s0] =	ssyncadd.remote.s32 $0x1  }
0xbe: {  	_ =	sfence.sel $0xFFFF  }
0xbf: {  	[dreg:$0x0] =	wrdreg $0xFFFFFFFF;
	(pc) =	sbr.abs _section_cstart, $3  }
0xc0: {  	[dreg:$0x1] =	wrdreg $0xFFFFFFFF  }
0xc1: {  	_ =	task.clear_ibuf [dreg:s7], $0x2FFFF;
	_ =	strace $0x9FFFFFFF  }
0xc2: {  	(tm) =	ssettm $0x7FFFFFFF  }
0xc3: {  	_ =	shalt  }
tec
execute0_lowered:
.L_overlay_start_1:
0x0: {  	(tag) =	ssettag $0x1  }
0x1: {  	s0 =	srdreg.scid;
	s1 =	rddreg [dreg:$0x0]  }
0x2: {  	s6 =	stileid.u32;
	s4 =	rddreg [dreg:$0x1];
	s2 =	simm.s32 $0x0  }
0x3: {  	s18 =	simm.s32 $0x118;
	s19 =	simm.s32 $0xAE80;
	s20 =	simm.s32 $0x150  }
0x4: {  	s21 =	simm.s32 $0xBB00;
	s22 =	simm.s32 $0x188;
	s23 =	simm.s32 $0xC780  }
0x5: {  	s24 =	simm.s32 $0x1C0;
	s28 =	simm.s32 $0xE080;
	s29 =	simm.s32 $0x2  }
0x6: {  	s30 =	simm.s32 $0x3;
	s31 =	simm.s32 $0x0;
	s0 =	sand.u32 $0x1, s0  }
0x7: {  	s3 =	sshll.u32 s6, $0xA;
	[smem:$0x7FF] =	sst s2;
	s6 =	smul.u32 $0x64000, s6  }
0x8: {  	s5 =	sshll.u32 s0, $0x9;
	_ =	strace $0x80000047;
	s25 =	ssub.s32 $0x2, s0  }
0x9: {  	s0 =	smul.u32 $0x32000, s0;
	s3 =	sor.u32 s5, s3;
	s8 =	sshrl.u32 s25, $0x1  }
0xa: {  	s6 =	sadd.s32 s6, s4;
	s3 =	smul.u32 $0x7, s3;
	s26 =	ssub.s32 s25, s8  }
0xb: {  	s13 =	sadd.s32 s0, s6;
	s8 =	simm.s32 $0x32;
	s25 =	simm.s32 $0xD400  }
0xc: {  	s5 =	smax.u32 s26, $0x1;
	s26 =	simm.s32 $0x1F8;
	s7 =	sadd.s32 s3, s1  }
0xd: {  	s3 =	sadd.s32 $0xF42E00, s1;
	s4 =	sadd.s32 $0xA00, s7;
	s7 =	simm.s32 $0x1  }
.LBB2_1:
0xe: {  	[tilespmem:s2], [sflag:$0x1] =	stream.linear.gather [hbm4b:s4+s2], $0x7000, $0x38;
	[tilespmem:$0x10600] =	vst v63  }
0xf: {  	_ =	swait.ge [sflag:s7], $0x7000  }
0x10: {  	[sflag:s7] =	ssyncset.done $0x0  }
0x11: {  	s0 =	simm.s32 $0x7000;
	[sflag:s7] =	ssyncadd.s32 $0xFFFF9000  }
0x12: {  	[tilespmem:s0], [sflag:$0x2] =	stream.indirect.gather [hbm4b:s3+s8], $0x40, s2, s8, $0xb8;
	[tilespmem:$0x10600] =	vst v63  }
0x13: {  	s10 =	simm.s32 $0x38;
	s1 =	simm.s32 $0x7C80  }
0x14: {  	[tilespmem:s1], [sflag:$0x2] =	stream.indirect.gather [hbm4b:s3+s8], $0x40, s10, s8, $0xb8;
	[tilespmem:$0x10600] =	vst v63  }
0x15: {  	s11 =	simm.s32 $0x70;
	s12 =	simm.s32 $0x8900  }
0x16: {  	[tilespmem:s12], [sflag:$0x2] =	stream.indirect.gather [hbm4b:s3+s8], $0x40, s11, s8, $0xb8;
	[tilespmem:$0x10600] =	vst v63  }
0x17: {  	s14 =	simm.s32 $0xA8;
	s15 =	simm.s32 $0x9580  }
0x18: {  	[tilespmem:s15], [sflag:$0x2] =	stream.indirect.gather [hbm4b:s3+s8], $0x40, s14, s8, $0xb8;
	[tilespmem:$0x10600] =	vst v63  }
0x19: {  	s16 =	simm.s32 $0xE0;
	s17 =	simm.s32 $0xA200;
	s6 =	smul.u32 $0xAAAB, s2  }
0x1a: {  	[tilespmem:s17], [sflag:$0x2] =	stream.indirect.gather [hbm4b:s3+s8], $0x40, s16, s8, $0xb8;
	[tilespmem:$0x10600] =	vst v63  }
0x1b: {  	s6 =	sshrl.u32 s6, $0x13  }
0x1c: {  	[tilespmem:s19], [sflag:$0x2] =	stream.indirect.gather [hbm4b:s3+s8], $0x40, s18, s8, $0xb8;
	[tilespmem:$0x10600] =	vst v63  }
0x1d: {  	p0 =	por $0x0, $0x0;
	s6 =	smul.u32 $0xC, s6;
	s0 =	simm.s32 $0xA  }
0x1e: {  	[tilespmem:s21], [sflag:$0x2] =	stream.indirect.gather [hbm4b:s3+s8], $0x40, s20, s8, $0xb8;
	[tilespmem:$0x10600] =	vst v63  }
0x1f: {  	p1 =	por p0, p0;
	s0 =	smul.u32 @!p0 $0xAAAB, s0;
	p0 =	por @!p0 $0x1, $0x1  }
0x20: {  	[tilespmem:s23], [sflag:$0x2] =	stream.indirect.gather [hbm4b:s3+s8], $0x40, s22, s8, $0xb8;
	[tilespmem:$0x10600] =	vst v63  }
0x21: {  	s6 =	ssub.s32 $0x0, s6;
	s1 =	simm.s32 $0x230;
	s9 =	sshrl.u32 @!p1 s0, $0x13  }
0x22: {  	[tilespmem:s25], [sflag:$0x2] =	stream.indirect.gather [hbm4b:s3+s8], $0x40, s24, s8, $0xb8;
	[tilespmem:$0x10600] =	vst v63  }
0x23: {  	p0 =	por p0, p0;
	s6 =	sand.u32 $0xFFFF, s6;
	s9 =	smul.u32 @!p1 $0xC, s9  }
0x24: {  	[tilespmem:s28], [sflag:$0x2] =	stream.indirect.gather [hbm4b:s3+s8], $0x40, s26, s8, $0xb8;
	[tilespmem:$0x10600] =	vst v63  }
0x25: {  	s0 =	simm.s32 $0x1;
	s9 =	ssub.s32 @!p1 $0xA, s9;
	_ =	swait.ge [sflag:s29], $0xC80  }
0x26: {  	p2 =	por p0, p1;
	s9 =	sand.u32 @!p1 $0xFFFF, s9;
	[sflag:s29] =	ssyncset.done $0x0  }
0x27: {  	s10 =	simm.s32 @!p2 $0x3;
	s9 =	smul.u32 @!p1 $0x3200, s9;
	[sflag:s29] =	ssyncadd.s32 $0xFFFFF380  }
0x28: {  	p0 =	por $0x0, $0x0;
	s6 =	smul.u32 $0x3200, s6;
	_ =	swait.ge @!p2 [sflag:s10], $0xC80  }
0x29: {  	s11 =	simm.s32 $0x2;
	s9 =	sshrl.u32 @!p1 s9, $0x2;
	[sflag:s10] =	ssyncset.done @!p2 $0x0  }
0x2a: {  	s9 =	sadd.s32 @!p1 $0x7000, s9;
	[sflag:s10] =	ssyncadd.s32 @!p2 $0xFFFFF380;
	s10 =	simm.s32 @!p1 $0x32  }
0x2b: {  	[tilespmem:s9], [sflag:$0x2] =	stream.indirect.gather @!p1 [hbm4b:s3+s10], $0x40, s1, s10, $0xb8;
	[tilespmem:$0x10600] =	vst v63  }
0x2c: {  	s14 =	sshrl.u32 s6, $0x2;
	s6 =	smov.u32 s13;
	s10 =	simm.s32 $0xB  }
0x2d: {  	p1 =	por @!p0 $0x1, $0x1;
	s9 =	sadd.s32 $0x190, s13;
	s12 =	smul.u32 @!p0 $0xAAAB, s10  }
.LBB2_2:
0x2e: {  	s14 =	sadd.s32 $0x7000, s14;
	s1 =	sadd.s32 $0x38, s1  }
0x2f: {  	s15 =	smov.u32 s0;
	s0 =	smov.u32 s11;
	s11 =	sadd.s32 $0x1, s11  }
0x30: {  	s16 =	smov.u32 s10;
	p2 =	por p0, p0;
	p4 =	por p1, p1  }
0x31: {  	[hbm4b:s6+s2] =	stream.linear.scatter [tilespmem:s14], [sflag:$0x3], $0xC80, $0x38;
	[tilespmem:$0x10600] =	vst v63  }
0x32: {  	s10 =	sadd.s32 $0xA, s0;
	p0 =	sgt.u32 s0, $0x1F5;
	p3 =	sne.s32 s11, $0x200  }
0x33: {  	s14 =	smul.u32 $0xAAAB, s15;
	s6 =	sshrl.u32 @!p2 s12, $0x13;
	p1 =	slt.u32 @!p0 s0, $0x2  }
0x34: {  	s17 =	smul.u32 @!p2 $0xC, s6;
	s6 =	smov.u32 s9  }
0x35: {  	s12 =	smul.u32 @!p0 $0xAAAB, s10;
	s14 =	sshrl.u32 s14, $0x13  }
0x36: {  	s14 =	smul.u32 $0xC, s14;
	s16 =	ssub.s32 @!p2 s16, s17;
	_ =	swait.ge [sflag:s29], $0xC80  }
0x37: {  	p4 =	por p4, p2;
	s16 =	sand.u32 @!p2 $0xFFFF, s16;
	[sflag:s29] =	ssyncset.done $0x0  }
0x38: {  	s14 =	ssub.s32 s15, s14;
	s15 =	smul.u32 @!p2 $0x3200, s16;
	[sflag:s29] =	ssyncadd.s32 $0xFFFFF380  }
.Ltmp0:
0x39: {  	s16 =	simm.s32 @!p4 $0x3;
	s14 =	sand.u32 $0xFFFF, s14;
	(pc) =	sbr.rel @p3 .LBB2_2-.Ltmp0, $4  }
0x3a: {  	s14 =	smul.u32 $0x3200, s14;
	s15 =	sshrl.u32 @!p2 s15, $0x2;
	_ =	swait.ge @!p4 [sflag:s16], $0xC80  }
0x3b: {  	s9 =	sadd.s32 $0x190, s9;
	s15 =	sadd.s32 @!p2 $0x7000, s15;
	[sflag:s16] =	ssyncset.done @!p4 $0x0  }
0x3c: {  	s14 =	sshrl.u32 s14, $0x2;
	[sflag:s16] =	ssyncadd.s32 @!p4 $0xFFFFF380;
	s16 =	simm.s32 @!p2 $0x32  }
0x3d: {  	[tilespmem:s15], [sflag:$0x2] =	stream.indirect.gather @!p2 [hbm4b:s3+s16], $0x40, s1, s16, $0xb8;
	[tilespmem:$0x10600] =	vst v63  }
0x3e: {  	s11 =	sadd.s32 $0x7000, s14;
	p0 =	por p0, p0  }
0x3f: {  	[hbm4b:s6+s2] =	stream.linear.scatter [tilespmem:s11], [sflag:$0x3], $0xC80, $0x38;
	[tilespmem:$0x10600] =	vst v63  }
0x40: {  	s16 =	smul.u32 $0xAAAB, s0;
	s11 =	sshrl.u32 @!p0 s12, $0x13  }
0x41: {  	s11 =	smul.u32 @!p0 $0xC, s11  }
0x42: {  	s6 =	sshrl.u32 s16, $0x13  }
0x43: {  	p1 =	por p1, p1;
	s6 =	smul.u32 $0xC, s6;
	s10 =	ssub.s32 @!p0 s10, s11  }
0x44: {  	p1 =	por p1, p0;
	_ =	swait.ge [sflag:s29], $0xC80;
	s10 =	sand.u32 @!p0 $0xFFFF, s10  }
0x45: {  	[sflag:s29] =	ssyncset.done $0x0;
	s17 =	ssub.s32 s0, s6;
	s6 =	smul.u32 @!p0 $0x3200, s10  }
0x46: {  	[sflag:s29] =	ssyncadd.s32 $0xFFFFF380;
	s0 =	sand.u32 $0xFFFF, s17;
	s10 =	simm.s32 @!p1 $0x3  }
0x47: {  	s0 =	smul.u32 $0x3200, s0;
	_ =	swait.ge @!p1 [sflag:s10], $0xC80;
	s6 =	sshrl.u32 @!p0 s6, $0x2  }
0x48: {  	s1 =	sadd.s32 $0x38, s1;
	[sflag:s10] =	ssyncset.done @!p1 $0x0;
	s6 =	sadd.s32 @!p0 $0x7000, s6  }
0x49: {  	s0 =	sshrl.u32 s0, $0x2;
	[sflag:s10] =	ssyncadd.s32 @!p1 $0xFFFFF380;
	s10 =	simm.s32 @!p0 $0x32  }
0x4a: {  	[tilespmem:s6], [sflag:$0x2] =	stream.indirect.gather @!p0 [hbm4b:s3+s10], $0x40, s1, s10, $0xb8;
	[tilespmem:$0x10600] =	vst v63  }
0x4b: {  	s0 =	sadd.s32 $0x7000, s0  }
0x4c: {  	[hbm4b:s9+s2] =	stream.linear.scatter [tilespmem:s0], [sflag:$0x3], $0xC80, $0x38;
	[tilespmem:$0x10600] =	vst v63  }
0x4d: {  	_ =	swait.ge [sflag:s30], $0xC80  }
0x4e: {  	[sflag:s30] =	ssyncset.done $0x0  }
0x4f: {  	[sflag:s30] =	ssyncadd.s32 $0xFFFFF380  }
0x50: {  	_ =	swait.ge [sflag:s30], $0xC80  }
0x51: {  	[sflag:s30] =	ssyncset.done $0x0  }
0x52: {  	[sflag:s30] =	ssyncadd.s32 $0xFFFFF380  }
0x53: {  	_ =	swait.ge [sflag:s30], $0xC80  }
0x54: {  	[sflag:s30] =	ssyncset.done $0x0  }
0x55: {  	[sflag:s30] =	ssyncadd.s32 $0xFFFFF380  }
0x56: {  	_ =	swait.ge [sflag:s30], $0xC80  }
0x57: {  	[sflag:s30] =	ssyncset.done $0x0  }
0x58: {  	[sflag:s30] =	ssyncadd.s32 $0xFFFFF380  }
0x59: {  	_ =	swait.ge [sflag:s30], $0xC80  }
0x5a: {  	[sflag:s30] =	ssyncset.done $0x0  }
0x5b: {  	[sflag:s30] =	ssyncadd.s32 $0xFFFFF380  }
0x5c: {  	_ =	swait.ge [sflag:s30], $0xC80  }
0x5d: {  	[sflag:s30] =	ssyncset.done $0x0  }
0x5e: {  	[sflag:s30] =	ssyncadd.s32 $0xFFFFF380  }
0x5f: {  	_ =	swait.ge [sflag:s30], $0xC80  }
0x60: {  	[sflag:s30] =	ssyncset.done $0x0  }
0x61: {  	[sflag:s30] =	ssyncadd.s32 $0xFFFFF380  }
0x62: {  	_ =	swait.ge [sflag:s30], $0xC80  }
0x63: {  	[sflag:s30] =	ssyncset.done $0x0  }
0x64: {  	[sflag:s30] =	ssyncadd.s32 $0xFFFFF380  }
0x65: {  	_ =	swait.ge [sflag:s30], $0xC80  }
0x66: {  	[sflag:s30] =	ssyncset.done $0x0  }
0x67: {  	[sflag:s30] =	ssyncadd.s32 $0xFFFFF380  }
0x68: {  	_ =	swait.ge [sflag:s30], $0xC80  }
0x69: {  	[sflag:s30] =	ssyncset.done $0x0  }
0x6a: {  	s31 =	sadd.s32 $0x1, s31;
	[sflag:s30] =	ssyncadd.s32 $0xFFFFF380  }
0x6b: {  	p0 =	sne.s32 s31, s5;
	_ =	swait.ge [sflag:s30], $0xC80  }
.Ltmp1:
0x6c: {  	[sflag:s30] =	ssyncset.done $0x0;
	(pc) =	sbr.rel @p0 .LBB2_1-.Ltmp1, $4  }
0x6d: {  	[sflag:s30] =	ssyncadd.s32 $0xFFFFF380  }
0x6e: {  	_ =	swait.ge [sflag:s30], $0xC80  }
0x6f: {  	[sflag:s30] =	ssyncset.done $0x0  }
0x70: {  	[sflag:s30] =	ssyncadd.s32 $0xFFFFF380  }
0x71: {  	_ =	sfence.sel $0x180000  }
0x72: {  	[bflag:$0x0] =	sbarrier.arrive $0xFFFF  }
0x73: {  	_ =	strace $0x90000047  }
0x74: {  	s0 =	stileid.u32;
	[bflag:$0x2] =	sbarrier.arrive $0xFFFF  }
0x75: {  	p0 =	sne.s32 s0, $0x0;
	s0 =	rddreg [dreg:$0x2]  }
0x76: {  	s0 =	sadd.s32 @!p0 $0x100000, s0  }
0x77: {  	[sflag:s0] =	ssyncadd.tile.s32 @!p0 $0x1;
	_ =	shalt  }
.Lfunc_end2:
_tile_overlayer_lowered:
.L_overlay_start_2:
0x78: {  	(tag) =	ssettag $0x2  }
0x79: {  	s0 =	rddreg [dreg:$0x0];
	s2 =	stileid.u32  }
0x7a: {  	s1 =	rddreg [dreg:$0x1];
	p0 =	sne.s32 s2, $0x0  }
0x7b: {  	s3 =	rddreg [dreg:$0x2];
	[bflag:$0x3] =	sbarrier.arrive $0xFFFF;
	s2 =	simm.s32 @!p0 $0x1C04  }
0x7c: {  	[timem:s3], [sflag:s2] =	dma.local @!p0 [hbm:s0], s1  }
0x7d: {  	s0 =	simm.s32 @!p0 $0x4  }
0x7e: {  	_ =	swait.ge @!p0 [sflag:s0], s1  }
0x7f: {  	s1 =	ssub.s32 @!p0 $0x0, s1;
	[sflag:s0] =	ssyncset.done @!p0 $0x0  }
0x80: {  	[sflag:s0] =	ssyncadd.s32 @!p0 s1  }
0x81: {  	[bflag:$0x3] =	sbarrier.arrive $0xFFFF  }
0x82: {  	_ =	shalt  }

// kernel: sparse-core-data-format-call.cloned.1.call-start
scs
called_computation_lowered:
.L_overlay_start_0:
0x0: {  	s2 =	sld [smem:$0x3FD9]  }
0x1: {  	s3 =	sld [smem:$0x3FFE];
	_ =	sdelay $0x1  }
0x2: {  	s1 =	srdreg.scid  }
0x3: {  	s0 =	sand.u32 $0x1, s1  }
0x4: {  	s18 =	sshll.u32 s0, $0xA;
	s2 =	sadd.s32 s3, s2  }
0x5: {  	s2 =	sadd.s32 s2, s18  }
0x6: {  	[smem:$0x3FC6] =	sst s2  }
0x7: {  	_ = 	snop  }
0x8: {  	s2 =	sld [smem:$0x3FD0];
	(tm) =	ssettm $0x1  }
0x9: {  	s19 =	sld [smem:$0x3FFB];
	_ =	sdelay $0x3  }
0xa: {  	_ =	strace s19  }
0xb: {  	s3 =	sld [smem:$0x3FFC];
	_ =	sdelay $0x3  }
0xc: {  	_ =	strace s3  }
0xd: {  	s3 =	sld [smem:$0x3FFD];
	_ =	sdelay $0x3  }
0xe: {  	_ =	strace s3  }
0xf: {  	_ =	strace $0x8FFFFFFF  }
0x10: {  	s20 =	sld [smem:$0x3FDB];
	_ =	sdelay $0x1  }
0x11: {  	s4 =	simm.s32 $_scs_section_size  }
0x12: {  	s5 =	simm.s32 $_size__tile_overlayer_lowered;
	s6 =	simm.s32 $_tile_overlayer_lowered  }
0x13: {  	s23 =	simm.s32 $0x1BFF;
	s22 =	sshll.u32 s6, $0x1;
	s3 =	sadd.s32 s4, s20  }
0x14: {  	s7 =	simm.s32 $0x0;
	s21 =	sshll.u32 s5, $0x1;
	s5 =	sadd.s32 s22, s3  }
0x15: {  	[timem:s7], [sflag:s23] =	dma.local [hbm:s5], s21  }
0x16: {  	_ =	swait.ge [sflag:s23], s21  }
0x17: {  	s4 =	ssub.s32 $0x0, s21;
	[sflag:s23] =	ssyncset.done $0x0  }
0x18: {  	[sflag:s23] =	ssyncadd.s32 s4;
	_ =	sdelay $0x1  }
0x19: {  	s24 =	simm.s32 $0x1B8B  }
0x1a: {  	_ =	swait.ge [sflag:s24], $0x1  }
0x1b: {  	[sflag:s24] =	ssyncset.done $0x0  }
0x1c: {  	s26 =	simm.s32 $0x1B8E;
	s25 =	sld [smem:$0x3FFE];
	[sflag:s24] =	ssyncadd.s32 $0xFFFFFFFF  }
0x1d: {  	s27 =	simm.s32 $execute0_lowered;
	[smem:$0x3FD2] =	sst s26  }
0x1e: {  	s5 =	sshll.u32 s27, $0x1;
	_ =	strace $0x80000049;
	[dreg:$0x1] =	wrdreg $0xFFFFFFFF  }
0x1f: {  	s28 =	simm.s32 $_size_execute0_lowered;
	s3 =	sadd.s32 s3, s5;
	[dreg:$0x0] =	wrdreg $0x0  }
0x20: {  	s5 =	sshll.u32 s28, $0x1;
	[dreg:$0x2] =	wrdreg s3  }
0x21: {  	[dreg:$0x3] =	wrdreg s5  }
0x22: {  	[dreg:$0x4] =	wrdreg $0xC0  }
0x23: {  	_ =	task [dreg:s7], $0x5FFFF  }
0x24: {  	[dreg:$0x1] =	wrdreg $0xFFFFFFFF  }
0x25: {  	[dreg:$0x0] =	wrdreg $0x60  }
0x26: {  	[dreg:$0x2] =	wrdreg s25  }
0x27: {  	[dreg:$0x3] =	wrdreg s2  }
0x28: {  	[dreg:$0x4] =	wrdreg $0x9  }
0x29: {  	_ =	task.clear_ibuf [dreg:s7], $0x5FFFF;
	_ =	strace $0x90000049  }
0x2a: {  	s29 =	simm.s32 $0x9;
	_ =	strace $0x8000004B  }
0x2b: {  	_ =	swait.ge [sflag:s29], $0x1  }
0x2c: {  	[sflag:s29] =	ssyncadd.s32 $0xFFFFFFFF  }
0x2d: {  	_ =	strace $0x9000004B  }
0x2e: {  	_ =	sfence  }
0x2f: {  	s30 =	sld [smem:$0x0];
	_ =	sdelay $0x2  }
0x30: {  	s31 =	sshll.u32 s1, $0xD;
	s1 =	sshrl.u32 s1, $0x2  }
0x31: {  	s3 =	sand.u32 $0x4000, s31;
	s1 =	sadd.s32 s1, s30  }
0x32: {  	s0 =	sor.u32 s3, s0;
	s1 =	sshll.u32 s1, $0x11  }
0x33: {  	s0 =	sor.u32 s1, s0  }
0x34: {  	s0 =	sadd.s32 $0x8F2B, s0  }
0x35: {  	[sflag:s0] =	ssyncadd.remote.s32 $0x1  }
0x36: {  	_ =	sfence.sel $0xFFFF  }
0x37: {  	[dreg:$0x0] =	wrdreg $0xFFFFFFFF;
	(pc) =	sbr.abs _section_cstart, $3  }
0x38: {  	[dreg:$0x1] =	wrdreg $0xFFFFFFFF  }
0x39: {  	_ =	task.clear_ibuf [dreg:s7], $0x2FFFF;
	_ =	strace $0x9FFFFFFF  }
0x3a: {  	(tm) =	ssettm $0x7FFFFFFF  }
0x3b: {  	_ =	shalt  }
tec
execute0_lowered:
.L_overlay_start_1:
0x0: {  	(tag) =	ssettag $0x1  }
0x1: {  	s0 =	srdreg.scid  }
0x2: {  	s1 =	sshll.u32 s0, $0x4  }
0x3: {  	s0 =	stileid.u32;
	s1 =	sand.u32 $0x10, s1  }
0x4: {  	s1 =	sor.u32 s0, s1  }
0x5: {  	s6 =	rddreg [dreg:$0x0];
	s4 =	simm.s32 $0x1;
	s2 =	sshll.u32 s1, $0x7  }
0x6: {  	s7 =	simm.s32 $0x2;
	s12 =	simm.s32 $0x0;
	s1 =	ssub.s32 $0x4000, s2  }
0x7: {  	s8 =	simm.s32 $0x20000;
	s13 =	simm.s32 $0x0;
	s3 =	sand.u32 $0xF80, s1  }
0x8: {  	s9 =	simm.s32 $0x0;
	s5 =	sshrl.u32 s1, $0xC;
	p0 =	sne.s32 s3, $0x0  }
.Ltmp0:
0x9: {  	s1 =	rddreg [dreg:$0x2];
	s4 =	simm.s32 @!p0 $0x0;
	(pc) =	sbr.rel .LBB1_1-.Ltmp0, $4  }
0xa: {  	s11 =	simm.s32 $0x0;
	s3 =	rddreg [dreg:$0x1];
	s5 =	sadd.s32 s4, s5  }
0xb: {  	_ =	strace $0x8000004A;
	s4 =	simm.s32 $0x1;
	s5 =	smul.u32 $0x32, s5  }
0xc: {  	s6 =	sadd.s32 $0xA00, s6;
	s10 =	smov.u32 s2;
	[sflag:s4] =	ssyncpa.u1 $0x0  }
0xd: {  	p0 =	por $0x0, $0x0;
	[sflag:s7] =	ssyncpa.u1 $0x0;
	s7 =	sor.u32 $0x1, s5  }
.LBB1_4:
0xe: {  	s16 =	sshll.u32 s13, $0x3;
	s17 =	sand.u32 $0x78, s13  }
0xf: {  	s30 =	sand.u32 $0x1F800, s13;
	s12 =	sshll.u32 s12, $0x11;
	s16 =	sand.u32 $0x3C00, s16  }
0x10: {  	[tilespmem:s15+$0x810 ss:$0x81] =	vst.msk $0xffff, v2;
	s31 =	sand.u32 $0x7, s13;
	s16 =	sor.u32 s17, s16;
	s17 =	sadd.s32 s3, s30  }
0x11: {  	[tilespmem:s15+$0x1020 ss:$0x81] =	vst.msk $0xffff, v0;
	s13 =	sshll.u32 s31, $0x12;
	s12 =	sadd.s32 s12, s17;
	s16 =	sshrl.u32 s16, $0x3  }
0x12: {  	[tilespmem:s15+$0x0 ss:$0x81] =	vst.msk $0xffff, v1;
	s13 =	sor.u32 $0x400, s13;
	s12 =	sadd.s32 s16, s12  }
0x13: {  	[hbm4b:s12+s13] =	stream.strided.scatter [tilespmem:s14], [sflag:$0x2], $0x2000, s8, s13, $0x20;
	[tilespmem:$0x8080] =	vst v63  }
.LBB1_5:
0x14: {  	s14 =	sadd.s32 $0x1, s9  }
0x15: {  	s12 =	sadd.s32 $0x1000, s10;
	s16 =	smov.u32 s10;
	p2 =	sgt.s32 s14, $0x31  }
0x16: {  	s16 =	smov.u32 @p2 s12  }
0x17: {  	s14 =	simm.s32 @p2 $0x0;
	p2 =	sgt.s32 s16, $0x3FFF  }
0x18: {  	s16 =	smov.u32 @p2 s2;
	p2 =	sne.s32 s11, s7  }
.Ltmp1:
0x19: {  	p1 =	slt.u32 s11, $0x2;
	(pc) =	sbr.rel @!p2 .LBB1_6-.Ltmp1, $4  }
0x1a: {  	s15 =	simm.s32 @!p1 $0x2  }
0x1b: {  	s13 =	smov.u32 s10;
	p0 =	por !p0, !p0;
	_ =	swait.ge @!p1 [sflag:s15], $0x2000  }
0x1c: {  	s12 =	smov.u32 s9;
	[sflag:s15] =	ssyncset.done @!p1 $0x0;
	s9 =	smov.u32 s14  }
0x1d: {  	s11 =	sadd.s32 $0x1, s11;
	[sflag:s15] =	ssyncadd.s32 @!p1 $0xFFFFE000;
	s10 =	smov.u32 s16  }
.LBB1_1:
0x1e: {  	p1 =	sge.u32 s11, s5  }
0x1f: {  	s14 =	sand.u32 @!p1 $0x1FFFFFF, s9  }
0x20: {  	s15 =	smulhi.u32 @!p1 $0x4924925, s14;
	_ =	sdelay $0x1  }
0x21: {  	s15 =	smul.u32 @!p1 $0x38, s15  }
0x22: {  	s16 =	sxor.u32 @!p1 $0xFFFFFFFF, s11;
	s17 =	smul.u32 @!p1 $0x380, s10  }
0x23: {  	s31 =	sadd.s32 $0xFFFFFFFF, s11;
	s16 =	sshll.u32 @!p1 s16, $0xD;
	s14 =	ssub.s32 @!p1 s14, s15  }
0x24: {  	s15 =	sand.u32 @!p1 $0x2000, s16;
	s16 =	sadd.s32 @!p1 s6, s17;
	s14 =	sshll.u32 @!p1 s14, $0x4  }
0x25: {  	s17 =	simm.s32 @!p1 $0x1C00;
	s14 =	sadd.s32 @!p1 s14, s16;
	s16 =	simm.s32 @!p1 $0x40  }
0x26: {  	[tilespmem:s15], [sflag:$0x1] =	stream.strided.gather @!p1 [hbm4b:s14+s16], $0x2000, s17, s16, $0x38;
	[tilespmem:$0x8080] =	vst v63  }
0x27: {  	p1 =	sge.u32 s31, s5  }
.Ltmp2:
0x28: {  	_ = 	snop;
	(pc) =	sbr.rel @p1 .LBB1_5-.Ltmp2, $1  }
0x29: {  	_ =	sdelay $0x3  }
0x2a: {  	s14 =	simm.s32 $0x1  }
0x2b: {  	_ =	swait.ge [sflag:s4], $0x2000;
	s14 =	simm.s32 @!p0 $0x0  }
0x2c: {  	[sflag:s4] =	ssyncset.done $0x0;
	s15 =	sshll.u32 s14, $0xD  }
0x2d: {  	[sflag:s4] =	ssyncadd.s32 $0xFFFFE000;
	s18 =	sor.u32 $0x20, s15  }
0x2e: {  	s14 =	smul.u32 $0x8100, s14;
	v3 =	vld [tilespmem:s18+$0x10]  }
0x2f: {  	s30 =	sand.u32 $0x1, s11;
	v2 =	vld [tilespmem:s18+$0xFFFFFFF0]  }
0x30: {  	s15 =	smul.u32 $0x8100, s30;
	s14 =	sshrl.u32 s14, $0x2;
	v0 =	vld [tilespmem:s18+$0x0]  }
0x31: {  	v1 =	vld [tilespmem:s18+$0xFFFFFFE0];
	s16 =	sor.u32 $0x4000, s14  }
0x32: {  	s31 =	sshrl.u32 s15, $0x2;
	s15 =	sadd.s32 $0x0, s16  }
0x33: {  	s17 =	simm.s32 $0x4;
	s18 =	sadd.s32 $0x40, s18;
	s14 =	sor.u32 $0x4000, s31;
	[tilespmem:s15+$0x1830 ss:$0x81] =	vst.msk $0xffff, v3  }
.LBB1_3:
0x34: {  	v3 =	vld [tilespmem:s18+$0x10];
	p1 =	sne.s32 s17, $0x1FC;
	[tilespmem:s15+$0x810 ss:$0x81] =	vst.msk $0xffff, v2;
	s19 =	smov.u32 s17;
	s17 =	sadd.s32 $0x4, s17  }
.Ltmp3:
0x35: {  	v2 =	vld [tilespmem:s18+$0xFFFFFFF0];
	[tilespmem:s15+$0x1020 ss:$0x81] =	vst.msk $0xffff, v0;
	(pc) =	sbr.rel @p1 .LBB1_3-.Ltmp3, $4  }
0x36: {  	v0 =	vld [tilespmem:s18+$0x0];
	[tilespmem:s15+$0x0 ss:$0x81] =	vst.msk $0xffff, v1  }
0x37: {  	s15 =	sshra.s32 s19, $0x2;
	v1 =	vld [tilespmem:s18+$0xFFFFFFE0]  }
0x38: {  	s15 =	sadd.s32 s15, s16  }
0x39: {  	s18 =	sadd.s32 $0x40, s18;
	[tilespmem:s15+$0x1830 ss:$0x81] =	vst.msk $0xffff, v3  }
.Ltmp4:
0x3a: {  	_ = 	snop;
	(pc) =	sbr.rel .LBB1_4-.Ltmp4, $1  }
0x3b: {  	_ =	sdelay $0x3  }
.LBB1_6:
0x3c: {  	_ =	sfence.sel $0x180000  }
0x3d: {  	s2 =	simm.s32 $0x1;
	[bflag:$0x0] =	sbarrier.arrive $0xFFFF  }
0x3e: {  	s31 =	simm.s32 $0x2;
	[sflag:s2] =	ssyncpa.u1 $0x1  }
0x3f: {  	[sflag:s31] =	ssyncpa.u1 $0x1  }
0x40: {  	p0 =	sne.s32 s0, $0x0;
	_ =	strace $0x9000004A  }
0x41: {  	s0 =	sadd.s32 @!p0 $0x100000, s1;
	[bflag:$0x2] =	sbarrier.arrive $0xFFFF  }
0x42: {  	[sflag:s0] =	ssyncadd.tile.s32 @!p0 $0x1;
	_ =	shalt  }
.Lfunc_end1:
_tile_overlayer_lowered:
.L_overlay_start_2:
0x43: {  	(tag) =	ssettag $0x2  }
0x44: {  	s0 =	rddreg [dreg:$0x0];
	s2 =	stileid.u32  }
0x45: {  	s1 =	rddreg [dreg:$0x1];
	p0 =	sne.s32 s2, $0x0  }
0x46: {  	s3 =	rddreg [dreg:$0x2];
	[bflag:$0x3] =	sbarrier.arrive $0xFFFF;
	s2 =	simm.s32 @!p0 $0x1C01  }
0x47: {  	[timem:s3], [sflag:s2] =	dma.local @!p0 [hbm:s0], s1  }
0x48: {  	s0 =	simm.s32 @!p0 $0x1  }
0x49: {  	_ =	swait.ge @!p0 [sflag:s0], s1  }
0x4a: {  	s1 =	ssub.s32 @!p0 $0x0, s1;
	[sflag:s0] =	ssyncset.done @!p0 $0x0  }
0x4b: {  	[sflag:s0] =	ssyncadd.s32 @!p0 s1  }
0x4c: {  	[bflag:$0x3] =	sbarrier.arrive $0xFFFF  }
0x4d: {  	_ =	shalt  }

</sc_bundles>
